<compile_context>
chip_gen: v7x
topology: tpu7x:2x2x1
jax: 0.10.2.dev20260603
libtpu: 0.0.44.dev20260713+nightly
codegen_flags: <defaults>
</compile_context>

<pallas_src>
import functools

import jax
import jax.numpy as jnp
from jax import lax
from jax.experimental import pallas as pl
from jax.experimental.pallas import tpu as pltpu
from jax.experimental.pallas import tpu_sc as plsc

B, L, S, D = 1024, 20, 12, 128
NP = B * L
N_NBR = NP * S
N_OTH = NP * 3 + B * 2 * L
NC, NS = 2, 16
NW = NC * NS
PPW = NP // NW
NBW = PPW * S
OPW = N_OTH // NW
CH = 128
NCH_N = NBW // CH
NCH_O = OPW // CH


def _row_pipeline(emb, idx, nch, out, out_base, rowbuf, sem):
    pltpu.async_copy(emb.at[idx.at[0]], rowbuf.at[0], sem)

    def chunk(c, _):
        par = lax.rem(c, 2)
        @pl.when(c < nch - 1)
        def _start():
            pltpu.async_copy(emb.at[idx.at[c + 1]], rowbuf.at[1 - par], sem)
        pltpu.make_async_copy(emb.at[idx.at[c]], rowbuf.at[par], sem).wait()
        pltpu.sync_copy(rowbuf.at[par], out.at[pl.ds(out_base + c * CH, CH)])
        return 0
    lax.fori_loop(0, nch, chunk, 0)


def _sc_body(adj_flat, wgt_tbl, emb, urev, oth_idx,
             wgt_out, nbr_out, oth_out,
             urev_v, fidx, idxflat, wgtflat, othidx_v, rowbuf, sem, sem2):
    wid = lax.axis_index("s") * NC + lax.axis_index("c")
    pbase = wid * PPW
    pltpu.sync_copy(urev.at[pl.ds(pbase, PPW)], urev_v)

    def fidx_row(row, _):
        for t in range(8):
            k = (row * 8 + t) * 16 + lax.iota(jnp.int32, 16)
            q = k // S
            r = k - q * S
            u = plsc.load_gather(urev_v, [q])
            fidx[row, pl.ds(t * 16, 16)] = u * S + r
        return 0
    lax.fori_loop(0, NCH_N, fidx_row, 0)

    pltpu.async_copy(adj_flat.at[fidx.at[0]], idxflat.at[0], sem)
    pltpu.async_copy(wgt_tbl.at[fidx.at[0]], wgtflat.at[0], sem2)

    def elem_chunk(j, _):
        @pl.when(j < NCH_N - 1)
        def _start():
            pltpu.async_copy(adj_flat.at[fidx.at[j + 1]], idxflat.at[j + 1],
                             sem)
            pltpu.async_copy(wgt_tbl.at[fidx.at[j + 1]], wgtflat.at[j + 1],
                             sem2)
        pltpu.make_async_copy(adj_flat.at[fidx.at[j]], idxflat.at[j],
                              sem).wait()
        pltpu.make_async_copy(wgt_tbl.at[fidx.at[j]], wgtflat.at[j],
                              sem2).wait()
        return 0
    lax.fori_loop(0, NCH_N, elem_chunk, 0)
    pltpu.sync_copy(wgtflat, wgt_out.at[wid])

    _row_pipeline(emb, idxflat, NCH_N, nbr_out, wid * NBW, rowbuf, sem)

    obase = wid * OPW

    def oidx_row(j, _):
        pltpu.sync_copy(oth_idx.at[pl.ds(obase + j * CH, CH)], othidx_v.at[j])
        return 0
    lax.fori_loop(0, NCH_O, oidx_row, 0)

    _row_pipeline(emb, othidx_v, NCH_O, oth_out, obase, rowbuf, sem)


@jax.jit
def _sc_gather(adj_flat, wgt_tbl, emb, urev, oth_idx):
    mesh = plsc.VectorSubcoreMesh(core_axis_name="c", subcore_axis_name="s")
    return pl.kernel(
        _sc_body,
        out_type=(
            jax.ShapeDtypeStruct((NW, NCH_N, CH), jnp.float32),
            jax.ShapeDtypeStruct((N_NBR, D), jnp.float32),
            jax.ShapeDtypeStruct((N_OTH, D), jnp.float32),
        ),
        mesh=mesh,
        compiler_params=pltpu.CompilerParams(needs_layout_passes=False),
        scratch_types=[
            pltpu.VMEM((PPW,), jnp.int32),
            pltpu.VMEM((NCH_N, CH), jnp.int32),
            pltpu.VMEM((NCH_N, CH), jnp.int32),
            pltpu.VMEM((NCH_N, CH), jnp.float32),
            pltpu.VMEM((NCH_O, CH), jnp.int32),
            pltpu.VMEM((2, CH, D), jnp.float32),
            pltpu.SemaphoreType.DMA,
            pltpu.SemaphoreType.DMA,
        ],
    )(adj_flat, wgt_tbl, emb, urev, oth_idx)


def _leaky(x):
    return jnp.where(x >= 0, x, 0.2 * x)


BB = 8


def _blockdiag(blocks, n, dtype):
    rows = []
    for b, blk in enumerate(blocks):
        parts = []
        if b > 0:
            parts.append(jnp.zeros((n, b * n), dtype))
        parts.append(blk)
        if b < len(blocks) - 1:
            parts.append(jnp.zeros((n, (len(blocks) - 1 - b) * n), dtype))
        rows.append(jnp.concatenate(parts, axis=1))
    return jnp.concatenate(rows, axis=0)


def _latt(H, adj_ref, a0, a1, a2, a3, n):
    N = BB * n
    dn = (((1,), (1,)), ((), ()))
    e0 = _leaky(lax.dot_general(H * a0, H, dn))
    e1 = _leaky(lax.dot_general(H * a1, H, dn))
    e2 = _leaky(lax.dot_general(H * a2, H, dn))
    e3 = _leaky(lax.dot_general(H * a3, H, dn))
    ablocks = []
    for b in range(BB):
        sl = (slice(b * n, (b + 1) * n),) * 2
        adj = adj_ref[0, b]
        al = jnp.full((n, n), -9e15, jnp.float32)
        al = jnp.where(adj == 1, e0[sl], al)
        al = jnp.where(adj == 2, e1[sl], al)
        al = jnp.where(adj == 3, e2[sl], al)
        al = jnp.where(adj == 4, e3[sl], al)
        al = al - jnp.max(al, axis=-1, keepdims=True)
        ablocks.append(jnp.exp(al))
    ex = _blockdiag(ablocks, n, jnp.float32)
    return jnp.dot(ex, H) / jnp.sum(ex, axis=-1, keepdims=True)


def _tc_global_body(nbr_ref, wgt_ref, usess_ref, sess_ref, mask_ref,
                    seg_ref, ind_ref, bsel_ref,
                    w1a_ref, w1b_ref, w2_ref, w3a_ref, w3b_ref,
                    glob_ref):
    nbr = nbr_ref[0]
    wgtc = wgt_ref[0]
    us = usess_ref[0]
    sg = sess_ref[0]
    m2 = mask_ref[0]
    seg = seg_ref[...]
    ind = ind_ref[...]
    bsel = bsel_ref[...]

    mbd = bsel * m2
    denom = jnp.maximum(jnp.sum(mbd, axis=-1, keepdims=True), 1.0)
    ave = jnp.dot(mbd, sg) / denom
    avebig = jnp.dot(ind, ave)

    xw = jnp.dot(nbr * avebig, w1a_ref[...]) + wgtc * w1b_ref[...]
    sc = jnp.dot(_leaky(xw), w2_ref[...])
    e = jnp.exp(sc)
    segsum = jnp.dot(seg, e)
    agg = jnp.dot(seg, e * nbr) / segsum
    glob_ref[0] = jax.nn.relu(jnp.dot(us, w3a_ref[...])
                              + jnp.dot(agg, w3b_ref[...]))


def _tc_local_body(usess_ref, cats_ref, nods_ref, adji_ref, adjn_ref,
                   ain_ref, aout_ref,
                   la0_ref, la1_ref, la2_ref, la3_ref,
                   ln0_ref, ln1_ref, ln2_ref, ln3_ref,
                   win_ref, bin_ref, wout_ref, bout_ref, biah_ref, boah_ref,
                   wihta_ref, wihtb_ref, bih_ref, whht_ref, bhh_ref,
                   itm_ref, cat_ref, nod_ref):
    us = usess_ref[0]
    ct = cats_ref[0]
    nd = nods_ref[0]

    itm_ref[0] = _latt(us, adji_ref, la0_ref[...], la1_ref[...],
                       la2_ref[...], la3_ref[...], L)

    ain = _blockdiag([ain_ref[0, b] for b in range(BB)], L, jnp.float32)
    aout = _blockdiag([aout_ref[0, b] for b in range(BB)], L, jnp.float32)
    hv = ct
    hi = jnp.dot(ain, jnp.dot(hv, win_ref[...]) + bin_ref[...]) \
        + biah_ref[...]
    ho = jnp.dot(aout, jnp.dot(hv, wout_ref[...]) + bout_ref[...]) \
        + boah_ref[...]
    gi = jnp.dot(hi, wihta_ref[...]) + jnp.dot(ho, wihtb_ref[...]) \
        + bih_ref[...]
    gh = jnp.dot(hv, whht_ref[...]) + bhh_ref[...]
    r = jax.nn.sigmoid(gi[:, :D] + gh[:, :D])
    z = jax.nn.sigmoid(gi[:, D:2 * D] + gh[:, D:2 * D])
    n = jnp.tanh(gi[:, 2 * D:] + r * gh[:, 2 * D:])
    cat_ref[0] = n + z * (hv - n)

    nod = _latt(nd, adjn_ref, ln0_ref[...], ln1_ref[...],
                ln2_ref[...], ln3_ref[...], 2 * L)
    nod = _latt(nod, adjn_ref, ln0_ref[...], ln1_ref[...],
                ln2_ref[...], ln3_ref[...], 2 * L)
    nod_ref[0] = nod


def _tc_all_body(nbr_ref, wgt_ref, usess_ref, sess_ref, cats_ref, nods_ref,
                 mask_ref, adji_ref, adjn_ref, ain_ref, aout_ref,
                 seg_ref, ind_ref, bsel_ref,
                 w1a_ref, w1b_ref, w2_ref, w3a_ref, w3b_ref,
                 la0_ref, la1_ref, la2_ref, la3_ref,
                 ln0_ref, ln1_ref, ln2_ref, ln3_ref,
                 win_ref, bin_ref, wout_ref, bout_ref, biah_ref, boah_ref,
                 wihta_ref, wihtb_ref, bih_ref, whht_ref, bhh_ref,
                 glob_ref, itm_ref, cat_ref, nod_ref):
    _tc_global_body(nbr_ref, wgt_ref, usess_ref, sess_ref, mask_ref,
                    seg_ref, ind_ref, bsel_ref,
                    w1a_ref, w1b_ref, w2_ref, w3a_ref, w3b_ref, glob_ref)
    _tc_local_body(usess_ref, cats_ref, nods_ref, adji_ref, adjn_ref,
                   ain_ref, aout_ref,
                   la0_ref, la1_ref, la2_ref, la3_ref,
                   ln0_ref, ln1_ref, ln2_ref, ln3_ref,
                   win_ref, bin_ref, wout_ref, bout_ref, biah_ref, boah_ref,
                   wihta_ref, wihtb_ref, bih_ref, whht_ref, bhh_ref,
                   itm_ref, cat_ref, nod_ref)


def _full(shape):
    return pl.BlockSpec(shape, lambda i: (0,) * len(shape))


def _bs(shape):
    return pl.BlockSpec((1,) + shape, lambda i: (i,) + (0,) * len(shape))


@jax.jit
def _tc_dense(nbr, wgt3, usess, sessg, catsg, nodsg, maskf, adji, adjn,
              ain, aout, seg, ind, bsel, w1a, w1b, w2, w3a, w3b,
              la0, la1, la2, la3, ln0, ln1, ln2, ln3,
              win, bin_, wout, bout, biah, boah,
              wihta, wihtb, bih, whht, bhh):
    f32 = jnp.float32
    G = B // BB
    out_shapes = (
        jax.ShapeDtypeStruct((G, BB * L, D), f32),
        jax.ShapeDtypeStruct((G, BB * L, D), f32),
        jax.ShapeDtypeStruct((G, BB * L, D), f32),
        jax.ShapeDtypeStruct((G, BB * 2 * L, D), f32),
    )
    in_specs = [
        _bs((BB * L * S, D)), _bs((BB * L * S, 1)), _bs((BB * L, D)),
        _bs((BB * L, D)), _bs((BB * L, D)), _bs((BB * 2 * L, D)),
        _bs((1, BB * L)), _bs((BB, L, L)), _bs((BB, 2 * L, 2 * L)),
        _bs((BB, L, L)), _bs((BB, L, L)),
        _full((BB * L, BB * L * S)), _full((BB * L * S, BB)),
        _full((BB, BB * L)),
        _full((D, D)), _full((1, D)), _full((D, 1)), _full((D, D)),
        _full((D, D)),
        _full((1, D)), _full((1, D)), _full((1, D)), _full((1, D)),
        _full((1, D)), _full((1, D)), _full((1, D)), _full((1, D)),
        _full((D, D)), _full((1, D)), _full((D, D)), _full((1, D)),
        _full((1, D)), _full((1, D)),
        _full((D, 3 * D)), _full((D, 3 * D)), _full((1, 3 * D)),
        _full((D, 3 * D)), _full((1, 3 * D)),
    ]
    out_specs = (_bs((BB * L, D)), _bs((BB * L, D)), _bs((BB * L, D)),
                 _bs((BB * 2 * L, D)))
    return pl.pallas_call(
        _tc_all_body,
        grid=(G,),
        in_specs=in_specs,
        out_specs=out_specs,
        out_shape=out_shapes,
    )(nbr, wgt3, usess, sessg, catsg, nodsg, maskf, adji, adjn, ain, aout,
      seg, ind, bsel,
      w1a, w1b, w2, w3a, w3b, la0, la1, la2, la3, ln0, ln1, ln2, ln3,
      win, bin_, wout, bout, biah, boah, wihta, wihtb, bih, whht, bhh)


def kernel(sess_idxs, global_adj_items, global_adj_wgts, urev_sess_itms,
           local_adj_itms, mask, rev_sess_itms, urev_sess_cats,
           local_adj_cats, urev_sess_nods, local_adj_nods, emb,
           la_a0, la_a1, la_a2, la_a3, lan_a0, lan_a1, lan_a2, lan_a3,
           W_in, b_in, W_out, b_out, b_iah, b_oah, w_ih, b_ih, w_hh, b_hh,
           ga_w1, ga_w2, ga_w3):
    i32 = jnp.int32
    adj_flat = global_adj_items.astype(i32).reshape(-1)
    wgt_tbl = global_adj_wgts.reshape(-1)
    urev = urev_sess_itms.reshape(-1).astype(i32)
    oth_idx = jnp.concatenate([
        urev, rev_sess_itms.reshape(-1).astype(i32),
        urev_sess_cats.reshape(-1).astype(i32),
        urev_sess_nods.reshape(-1).astype(i32)])

    wgt_flat, nbr_rows, oth_rows = _sc_gather(adj_flat, wgt_tbl, emb, urev,
                                              oth_idx)

    G = B // BB
    usess = oth_rows[:NP].reshape(G, BB * L, D)
    sessg = oth_rows[NP:2 * NP].reshape(G, BB * L, D)
    catsg = oth_rows[2 * NP:3 * NP].reshape(G, BB * L, D)
    nodsg = oth_rows[3 * NP:].reshape(G, BB * 2 * L, D)
    nbr = nbr_rows.reshape(G, BB * L * S, D)
    wgt3 = wgt_flat.reshape(G, BB * L * S, 1)
    maskf = mask.astype(jnp.float32).reshape(G, 1, BB * L)
    ain = local_adj_cats[:, :, :L].reshape(G, BB, L, L)
    aout = local_adj_cats[:, :, L:].reshape(G, BB, L, L)
    wihT = w_ih.T
    w1a = ga_w1[:D]
    w1b = ga_w1[D:].reshape(1, D)
    f32 = jnp.float32
    NR, NU = BB * L * S, BB * L
    rr = jnp.arange(NR, dtype=i32)
    ru = jnp.arange(NU, dtype=i32)
    rb = jnp.arange(BB, dtype=i32)
    seg = (ru[:, None] == rr[None, :] // S).astype(f32)
    ind = (rr[:, None] // (L * S) == rb[None, :]).astype(f32)
    bsel = (rb[:, None] == ru[None, :] // L).astype(f32)

    glob, itm, cat, nod = _tc_dense(
        nbr, wgt3, usess, sessg, catsg, nodsg, maskf,
        local_adj_itms.astype(i32).reshape(G, BB, L, L),
        local_adj_nods.astype(i32).reshape(G, BB, 2 * L, 2 * L), ain, aout,
        seg, ind, bsel,
        w1a, w1b, ga_w2, ga_w3[:D], ga_w3[D:],
        la_a0.reshape(1, D), la_a1.reshape(1, D), la_a2.reshape(1, D),
        la_a3.reshape(1, D), lan_a0.reshape(1, D), lan_a1.reshape(1, D),
        lan_a2.reshape(1, D), lan_a3.reshape(1, D),
        W_in, b_in.reshape(1, D), W_out, b_out.reshape(1, D),
        b_iah.reshape(1, D), b_oah.reshape(1, D),
        wihT[:D], wihT[D:], b_ih.reshape(1, 3 * D),
        w_hh.T, b_hh.reshape(1, 3 * D))
    return (glob.reshape(B, L, D), itm.reshape(B, L, D),
            cat.reshape(B, L, D), nod.reshape(B, 2 * L, D))

# --- scband reference (transcript-rebuilt; emitter-appended) ---
"""Pipeline reference for scband-ccgnn-34144990003661 (READ-ONLY COPY).

The authoritative reference and input builder live on the scoring server;
editing this copy changes nothing except your own understanding.
"""

import jax, jax.numpy as jnp
import numpy as np

B, L, S, D = 1024, 20, 12, 128
NUM_TOTAL = 40501
NUM_LAYER = 2

def _leaky(x):
    return jnp.where(x >= 0, x, 0.2 * x)

def _local_agg(h, adj, a0, a1, a2, a3):
    e0 = _leaky(jnp.einsum('bid,bjd->bij', h * a0, h))
    e1 = _leaky(jnp.einsum('bid,bjd->bij', h * a1, h))
    e2 = _leaky(jnp.einsum('bid,bjd->bij', h * a2, h))
    e3 = _leaky(jnp.einsum('bid,bjd->bij', h * a3, h))
    alpha = jnp.full(e0.shape, -9e15, dtype=h.dtype)
    alpha = jnp.where(adj == 1, e0, alpha)
    alpha = jnp.where(adj == 2, e1, alpha)
    alpha = jnp.where(adj == 3, e2, alpha)
    alpha = jnp.where(adj == 4, e3, alpha)
    alpha = jax.nn.softmax(alpha, axis=-1)
    return jnp.matmul(alpha, h)

def _gnn_cell(A, h, W_in, b_in, W_out, b_out, b_iah, b_oah, w_ih, b_ih, w_hh, b_hh):
    N = h.shape[1]
    in_in = jnp.matmul(A[:, :, :N], jnp.matmul(h, W_in) + b_in) + b_iah
    in_out = jnp.matmul(A[:, :, N:], jnp.matmul(h, W_out) + b_out) + b_oah
    inputs = jnp.concatenate([in_in, in_out], axis=-1)
    gi = jnp.matmul(inputs, w_ih.T) + b_ih
    gh = jnp.matmul(h, w_hh.T) + b_hh
    i_r, i_i, i_n = jnp.split(gi, 3, axis=-1)
    h_r, h_i, h_n = jnp.split(gh, 3, axis=-1)
    r = jax.nn.sigmoid(i_r + h_r)
    z = jax.nn.sigmoid(i_i + h_i)
    n = jnp.tanh(i_n + r * h_n)
    return n + z * (h - n)

def _global_agg(self_vec, ave, nbr, wgt, w1, w2, w3):
    x = jnp.concatenate([ave[:, :, None, :] * nbr, wgt[..., None]], axis=-1)
    alpha = _leaky(jnp.matmul(x, w1))
    alpha = jnp.matmul(alpha, w2)[..., 0]
    alpha = jax.nn.softmax(alpha, axis=-1)
    agg = jnp.sum(alpha[..., None] * nbr, axis=2)
    out = jnp.matmul(jnp.concatenate([self_vec, agg], axis=-1), w3)
    return jax.nn.relu(out)

def _forward(ints, floats):
    (sess_idxs, global_adj_items, urev_sess_itms, local_adj_itms, mask,
     rev_sess_itms, urev_sess_cats, urev_sess_nods, local_adj_nods) = ints
    (global_adj_wgts, local_adj_cats, emb,
     la_a0, la_a1, la_a2, la_a3, lan_a0, lan_a1, lan_a2, lan_a3,
     W_in, b_in, W_out, b_out, b_iah, b_oah, w_ih, b_ih, w_hh, b_hh,
     ga_w1, ga_w2, ga_w3) = floats
    smpl_adj = global_adj_items[urev_sess_itms]
    smpl_wgt = global_adj_wgts[urev_sess_itms]
    nbr_emb = emb[smpl_adj]
    usess = emb[urev_sess_itms]
    m = mask.astype(jnp.float32)
    sess_emb = emb[rev_sess_itms] * m[..., None]
    denom = jnp.maximum(jnp.sum(m, axis=-1, keepdims=True), 1.0)
    ave = jnp.sum(sess_emb, axis=1) / denom
    ave = jnp.broadcast_to(ave[:, None, :], usess.shape)
    glob_itm = _global_agg(usess, ave, nbr_emb, smpl_wgt, ga_w1, ga_w2, ga_w3)
    locl_itm = _local_agg(usess, local_adj_itms, la_a0, la_a1, la_a2, la_a3)
    locl_cat = _gnn_cell(local_adj_cats, emb[urev_sess_cats], W_in, b_in, W_out, b_out, b_iah, b_oah, w_ih, b_ih, w_hh, b_hh)
    locl_nod = emb[urev_sess_nods]
    for _ in range(NUM_LAYER):
        locl_nod = _local_agg(locl_nod, local_adj_nods, lan_a0, lan_a1, lan_a2, lan_a3)
    return (glob_itm, locl_itm, locl_cat, locl_nod)

def setup_inputs(seed: int = 0):
    key = jax.random.key(seed)
    ks = [jax.random.fold_in(key, i) for i in range(40)]
    s = 1.0 / np.sqrt(D)
    def u(k, shape):
        return jax.random.uniform(k, shape, jnp.float32, -s, s)
    inp = {}
    inp['sess_idxs'] = jax.random.randint(ks[0], (B,), 0, 100000)
    inp['global_adj_items'] = jax.random.randint(ks[1], (NUM_TOTAL, S), 0, NUM_TOTAL)
    inp['global_adj_wgts'] = jax.random.uniform(ks[2], (NUM_TOTAL, S), jnp.float32)
    inp['urev_sess_itms'] = jax.random.randint(ks[3], (B, L), 0, NUM_TOTAL)
    inp['local_adj_itms'] = jax.random.randint(ks[4], (B, L, L), 0, 5)
    inp['mask'] = jax.random.randint(ks[5], (B, L), 0, 2)
    inp['rev_sess_itms'] = jax.random.randint(ks[6], (B, L), 0, NUM_TOTAL)
    inp['urev_sess_cats'] = jax.random.randint(ks[7], (B, L), 0, NUM_TOTAL)
    inp['local_adj_cats'] = jax.random.uniform(ks[8], (B, L, 2 * L), jnp.float32)
    inp['urev_sess_nods'] = jax.random.randint(ks[9], (B, 2 * L), 0, NUM_TOTAL)
    inp['local_adj_nods'] = jax.random.randint(ks[10], (B, 2 * L, 2 * L), 0, 5)
    inp['emb'] = u(ks[11], (NUM_TOTAL, D))
    inp['la_a0'] = u(ks[12], (D,)); inp['la_a1'] = u(ks[13], (D,))
    inp['la_a2'] = u(ks[14], (D,)); inp['la_a3'] = u(ks[15], (D,))
    inp['lan_a0'] = u(ks[16], (D,)); inp['lan_a1'] = u(ks[17], (D,))
    inp['lan_a2'] = u(ks[18], (D,)); inp['lan_a3'] = u(ks[19], (D,))
    inp['W_in'] = u(ks[20], (D, D)); inp['b_in'] = u(ks[21], (D,))
    inp['W_out'] = u(ks[22], (D, D)); inp['b_out'] = u(ks[23], (D,))
    inp['b_iah'] = u(ks[24], (D,)); inp['b_oah'] = u(ks[25], (D,))
    inp['w_ih'] = u(ks[26], (3 * D, 2 * D)); inp['b_ih'] = u(ks[27], (3 * D,))
    inp['w_hh'] = u(ks[28], (3 * D, D)); inp['b_hh'] = u(ks[29], (3 * D,))
    inp['ga_w1'] = u(ks[30], (D + 1, D)); inp['ga_w2'] = u(ks[31], (D, 1))
    inp['ga_w3'] = u(ks[32], (2 * D, D))
    return inp

def reference(sess_idxs, global_adj_items, global_adj_wgts, urev_sess_itms, local_adj_itms, mask, rev_sess_itms, urev_sess_cats, local_adj_cats, urev_sess_nods, local_adj_nods, emb, la_a0, la_a1, la_a2, la_a3, lan_a0, lan_a1, lan_a2, lan_a3, W_in, b_in, W_out, b_out, b_iah, b_oah, w_ih, b_ih, w_hh, b_hh, ga_w1, ga_w2, ga_w3):
    ints = (sess_idxs, global_adj_items, urev_sess_itms, local_adj_itms, mask, rev_sess_itms, urev_sess_cats, urev_sess_nods, local_adj_nods)
    floats = (global_adj_wgts, local_adj_cats, emb, la_a0, la_a1, la_a2, la_a3, lan_a0, lan_a1, lan_a2, lan_a3, W_in, b_in, W_out, b_out, b_iah, b_oah, w_ih, b_ih, w_hh, b_hh, ga_w1, ga_w2, ga_w3)
    return _forward(ints, floats)

if __name__ == "__main__":
    import jax
    _d = setup_inputs()
    print(jax.jit(kernel)(*tuple(_d.values())))

</pallas_src>

<mosaic_0001>
#map = affine_map<(d0, d1) -> (0)>
#map1 = affine_map<(d0, d1) -> (0, 0)>
#map2 = affine_map<(d0, d1) -> (0, 0, 0)>
module attributes {stable_mosaic.version = 14 : i64} {
  func.func @_sc_body(%arg0: i32, %arg1: i32, %arg2: memref<486012xi32, #tpu.memory_space<hbm>>, %arg3: memref<486012xf32, #tpu.memory_space<hbm>>, %arg4: memref<40501x128xf32, #tpu.memory_space<hbm>>, %arg5: memref<20480xi32, #tpu.memory_space<hbm>>, %arg6: memref<102400xi32, #tpu.memory_space<hbm>>, %arg7: memref<32x60x128xf32, #tpu.memory_space<hbm>>, %arg8: memref<245760x128xf32, #tpu.memory_space<hbm>>, %arg9: memref<102400x128xf32, #tpu.memory_space<hbm>>, %arg10: memref<640xi32, #tpu.memory_space<vmem>>, %arg11: memref<60x128xi32, #tpu.memory_space<vmem>>, %arg12: memref<60x128xi32, #tpu.memory_space<vmem>>, %arg13: memref<60x128xf32, #tpu.memory_space<vmem>>, %arg14: memref<25x128xi32, #tpu.memory_space<vmem>>, %arg15: memref<2x128x128xf32, #tpu.memory_space<vmem>>, %arg16: memref<!tpu.dma_semaphore, #tpu.memory_space<semaphore_mem>>, %arg17: memref<!tpu.dma_semaphore, #tpu.memory_space<semaphore_mem>>) attributes {dimension_semantics = [#tpu.dimension_semantics<core_parallel>, #tpu.dimension_semantics<subcore_parallel>], iteration_bounds = array<i64: 2, 16>, scalar_prefetch = 0 : i64, scratch_operands = 8 : i64, tpu.core_type = #tpu.core_type<sc_vector_subcore>, window_params = [{transform_indices = #map}, {transform_indices = #map}, {transform_indices = #map1}, {transform_indices = #map}, {transform_indices = #map}, {transform_indices = #map2}, {transform_indices = #map1}, {transform_indices = #map1}]} {
    %mul3A = arith.constant 2 : i32
    %mul3A_0 = arith.muli %arg1, %mul3A : i32
    %add3A = arith.addi %mul3A_0, %arg0 : i32
    %mul3A_1 = arith.constant 640 : i32
    %mul3A_2 = arith.muli %add3A, %mul3A_1 : i32
    "tpu.region"() ({
      %run_scoped3A = tpu.sem_alloc : memref<!tpu.dma_semaphore, #tpu.memory_space<semaphore_mem>>
      %dma_start3A_84 = tpu.memref_slice %arg5[%mul3A_2] : memref<20480xi32, #tpu.memory_space<hbm>> -> memref<640xi32, #tpu.memory_space<hbm>>
      %dma_start3A_85 = tpu.memref_slice %arg5[%mul3A_2] : memref<20480xi32, #tpu.memory_space<hbm>> -> memref<640xi32, #tpu.memory_space<hbm>>
      tpu.enqueue_dma source(%dma_start3A_85 : memref<640xi32, #tpu.memory_space<hbm>>) target(%arg10 : memref<640xi32, #tpu.memory_space<vmem>>) target_semaphore(%run_scoped3A : memref<!tpu.dma_semaphore, #tpu.memory_space<semaphore_mem>>)
      %dma_wait3A = tpu.memref_slice %arg5[%mul3A_2] : memref<20480xi32, #tpu.memory_space<hbm>> -> memref<640xi32, #tpu.memory_space<hbm>>
      %dma_wait3A_86 = tpu.memref_slice %arg5[%mul3A_2] : memref<20480xi32, #tpu.memory_space<hbm>> -> memref<640xi32, #tpu.memory_space<hbm>>
      tpu.wait_dma2 semaphore(%run_scoped3A : memref<!tpu.dma_semaphore, #tpu.memory_space<semaphore_mem>>) src(%dma_wait3A_86 : memref<640xi32, #tpu.memory_space<hbm>>) dst(%arg10 : memref<640xi32, #tpu.memory_space<vmem>>)
      tpu.yield
    }) : () -> ()
    %scan3A = arith.constant 0 : i32
    %scan3A_3 = arith.constant 0 : i32
    %scan3A_4 = arith.constant 60 : i32
    %scan3A_5 = arith.addi %scan3A_3, %scan3A_4 : i32
    %scan3A_6 = arith.constant 1 : i32
    %scan3A_7 = scf.for %scan3A_84 = %scan3A_3 to %scan3A_5 step %scan3A_6 iter_args(%scan3A_85 = %scan3A) -> (i32)  : i32 {
      %mul3A_86 = arith.constant 8 : i32
      %mul3A_87 = arith.muli %scan3A_84, %mul3A_86 : i32
      %add3A_88 = arith.constant 0 : i32
      %add3A_89 = arith.addi %mul3A_87, %add3A_88 : i32
      %mul3A_90 = arith.constant 16 : i32
      %mul3A_91 = arith.muli %add3A_89, %mul3A_90 : i32
      %iota3A = tpu.iota {dimensions = array<i32: 0>} : vector<16xi32>
      %add3A_92 = vector.broadcast %mul3A_91 : i32 to vector<16xi32>
      %add3A_93 = arith.addi %add3A_92, %iota3A : vector<16xi32>
      %jit3A = arith.constant 12 : i32
      %div3A = vector.broadcast %jit3A : i32 to vector<16xi32>
      %div3A_94 = arith.divsi %add3A_93, %div3A : vector<16xi32>
      %sign3A = arith.constant 0 : i32
      %sign3A_95 = vector.broadcast %sign3A : i32 to vector<16xi32>
      %sign3A_96 = arith.cmpi sgt, %add3A_93, %sign3A_95 : vector<16xi32>
      %sign3A_97 = arith.extui %sign3A_96 : vector<16xi1> to vector<16xi32>
      %sign3A_98 = arith.constant 0 : i32
      %sign3A_99 = vector.broadcast %sign3A_98 : i32 to vector<16xi32>
      %sign3A_100 = arith.cmpi slt, %add3A_93, %sign3A_99 : vector<16xi32>
      %sign3A_101 = arith.extui %sign3A_100 : vector<16xi1> to vector<16xi32>
      %sign3A_102 = arith.subi %sign3A_97, %sign3A_101 : vector<16xi32>
      %sign3A_103 = arith.constant 0 : i32
      %sign3A_104 = arith.cmpi sgt, %jit3A, %sign3A_103 : i32
      %sign3A_105 = arith.extui %sign3A_104 : i1 to i32
      %sign3A_106 = arith.constant 0 : i32
      %sign3A_107 = arith.cmpi slt, %jit3A, %sign3A_106 : i32
      %sign3A_108 = arith.extui %sign3A_107 : i1 to i32
      %sign3A_109 = arith.subi %sign3A_105, %sign3A_108 : i32
      %ne3A = vector.broadcast %sign3A_109 : i32 to vector<16xi32>
      %ne3A_110 = arith.cmpi ne, %sign3A_102, %ne3A : vector<16xi32>
      %rem3A = vector.broadcast %jit3A : i32 to vector<16xi32>
      %rem3A_111 = arith.remsi %add3A_93, %rem3A : vector<16xi32>
      %ne3A_112 = arith.constant 0 : i32
      %ne3A_113 = vector.broadcast %ne3A_112 : i32 to vector<16xi32>
      %ne3A_114 = arith.cmpi ne, %rem3A_111, %ne3A_113 : vector<16xi32>
      %and3A = arith.andi %ne3A_110, %ne3A_114 : vector<16xi1>
      %sub3A = arith.constant 1 : i32
      %sub3A_115 = vector.broadcast %sub3A : i32 to vector<16xi32>
      %sub3A_116 = arith.subi %div3A_94, %sub3A_115 : vector<16xi32>
      %select_n3A = arith.select %and3A, %sub3A_116, %div3A_94 : vector<16xi1>, vector<16xi32>
      %mul3A_117 = arith.constant 12 : i32
      %mul3A_118 = vector.broadcast %mul3A_117 : i32 to vector<16xi32>
      %mul3A_119 = arith.muli %select_n3A, %mul3A_118 : vector<16xi32>
      %sub3A_120 = arith.subi %add3A_93, %mul3A_119 : vector<16xi32>
      %gather3A = tpu.vector_load_idx %arg10[%select_n3A] : memref<640xi32, #tpu.memory_space<vmem>>[vector<16xi32>], vector<16xi32>,
      %mul3A_121 = arith.constant 12 : i32
      %mul3A_122 = vector.broadcast %mul3A_121 : i32 to vector<16xi32>
      %mul3A_123 = arith.muli %gather3A, %mul3A_122 : vector<16xi32>
      %add3A_124 = arith.addi %mul3A_123, %sub3A_120 : vector<16xi32>
      %swap3A = arith.index_cast %scan3A_84 : i32 to index
      %swap3A_125 = arith.constant 0 : index
      %swap3A_126 = tpu.vector_load %arg11[%swap3A, %swap3A_125] {strides = array<i32>} : memref<60x128xi32, #tpu.memory_space<vmem>>, vector<16xi32>,
      tpu.vector_store %arg11[%swap3A, %swap3A_125], %add3A_124 {strides = array<i32>} : memref<60x128xi32, #tpu.memory_space<vmem>>, vector<16xi32>,
      %mul3A_127 = arith.constant 8 : i32
      %mul3A_128 = arith.muli %scan3A_84, %mul3A_127 : i32
      %add3A_129 = arith.constant 1 : i32
      %add3A_130 = arith.addi %mul3A_128, %add3A_129 : i32
      %mul3A_131 = arith.constant 16 : i32
      %mul3A_132 = arith.muli %add3A_130, %mul3A_131 : i32
      %iota3A_133 = tpu.iota {dimensions = array<i32: 0>} : vector<16xi32>
      %add3A_134 = vector.broadcast %mul3A_132 : i32 to vector<16xi32>
      %add3A_135 = arith.addi %add3A_134, %iota3A_133 : vector<16xi32>
      %jit3A_136 = arith.constant 12 : i32
      %div3A_137 = vector.broadcast %jit3A_136 : i32 to vector<16xi32>
      %div3A_138 = arith.divsi %add3A_135, %div3A_137 : vector<16xi32>
      %sign3A_139 = arith.constant 0 : i32
      %sign3A_140 = vector.broadcast %sign3A_139 : i32 to vector<16xi32>
      %sign3A_141 = arith.cmpi sgt, %add3A_135, %sign3A_140 : vector<16xi32>
      %sign3A_142 = arith.extui %sign3A_141 : vector<16xi1> to vector<16xi32>
      %sign3A_143 = arith.constant 0 : i32
      %sign3A_144 = vector.broadcast %sign3A_143 : i32 to vector<16xi32>
      %sign3A_145 = arith.cmpi slt, %add3A_135, %sign3A_144 : vector<16xi32>
      %sign3A_146 = arith.extui %sign3A_145 : vector<16xi1> to vector<16xi32>
      %sign3A_147 = arith.subi %sign3A_142, %sign3A_146 : vector<16xi32>
      %sign3A_148 = arith.constant 0 : i32
      %sign3A_149 = arith.cmpi sgt, %jit3A_136, %sign3A_148 : i32
      %sign3A_150 = arith.extui %sign3A_149 : i1 to i32
      %sign3A_151 = arith.constant 0 : i32
      %sign3A_152 = arith.cmpi slt, %jit3A_136, %sign3A_151 : i32
      %sign3A_153 = arith.extui %sign3A_152 : i1 to i32
      %sign3A_154 = arith.subi %sign3A_150, %sign3A_153 : i32
      %ne3A_155 = vector.broadcast %sign3A_154 : i32 to vector<16xi32>
      %ne3A_156 = arith.cmpi ne, %sign3A_147, %ne3A_155 : vector<16xi32>
      %rem3A_157 = vector.broadcast %jit3A_136 : i32 to vector<16xi32>
      %rem3A_158 = arith.remsi %add3A_135, %rem3A_157 : vector<16xi32>
      %ne3A_159 = arith.constant 0 : i32
      %ne3A_160 = vector.broadcast %ne3A_159 : i32 to vector<16xi32>
      %ne3A_161 = arith.cmpi ne, %rem3A_158, %ne3A_160 : vector<16xi32>
      %and3A_162 = arith.andi %ne3A_156, %ne3A_161 : vector<16xi1>
      %sub3A_163 = arith.constant 1 : i32
      %sub3A_164 = vector.broadcast %sub3A_163 : i32 to vector<16xi32>
      %sub3A_165 = arith.subi %div3A_138, %sub3A_164 : vector<16xi32>
      %select_n3A_166 = arith.select %and3A_162, %sub3A_165, %div3A_138 : vector<16xi1>, vector<16xi32>
      %mul3A_167 = arith.constant 12 : i32
      %mul3A_168 = vector.broadcast %mul3A_167 : i32 to vector<16xi32>
      %mul3A_169 = arith.muli %select_n3A_166, %mul3A_168 : vector<16xi32>
      %sub3A_170 = arith.subi %add3A_135, %mul3A_169 : vector<16xi32>
      %gather3A_171 = tpu.vector_load_idx %arg10[%select_n3A_166] : memref<640xi32, #tpu.memory_space<vmem>>[vector<16xi32>], vector<16xi32>,
      %mul3A_172 = arith.constant 12 : i32
      %mul3A_173 = vector.broadcast %mul3A_172 : i32 to vector<16xi32>
      %mul3A_174 = arith.muli %gather3A_171, %mul3A_173 : vector<16xi32>
      %add3A_175 = arith.addi %mul3A_174, %sub3A_170 : vector<16xi32>
      %swap3A_176 = arith.index_cast %scan3A_84 : i32 to index
      %swap3A_177 = arith.constant 16 : index
      %swap3A_178 = tpu.vector_load %arg11[%swap3A_176, %swap3A_177] {strides = array<i32>} : memref<60x128xi32, #tpu.memory_space<vmem>>, vector<16xi32>,
      tpu.vector_store %arg11[%swap3A_176, %swap3A_177], %add3A_175 {strides = array<i32>} : memref<60x128xi32, #tpu.memory_space<vmem>>, vector<16xi32>,
      %mul3A_179 = arith.constant 8 : i32
      %mul3A_180 = arith.muli %scan3A_84, %mul3A_179 : i32
      %add3A_181 = arith.constant 2 : i32
      %add3A_182 = arith.addi %mul3A_180, %add3A_181 : i32
      %mul3A_183 = arith.constant 16 : i32
      %mul3A_184 = arith.muli %add3A_182, %mul3A_183 : i32
      %iota3A_185 = tpu.iota {dimensions = array<i32: 0>} : vector<16xi32>
      %add3A_186 = vector.broadcast %mul3A_184 : i32 to vector<16xi32>
      %add3A_187 = arith.addi %add3A_186, %iota3A_185 : vector<16xi32>
      %jit3A_188 = arith.constant 12 : i32
      %div3A_189 = vector.broadcast %jit3A_188 : i32 to vector<16xi32>
      %div3A_190 = arith.divsi %add3A_187, %div3A_189 : vector<16xi32>
      %sign3A_191 = arith.constant 0 : i32
      %sign3A_192 = vector.broadcast %sign3A_191 : i32 to vector<16xi32>
      %sign3A_193 = arith.cmpi sgt, %add3A_187, %sign3A_192 : vector<16xi32>
      %sign3A_194 = arith.extui %sign3A_193 : vector<16xi1> to vector<16xi32>
      %sign3A_195 = arith.constant 0 : i32
      %sign3A_196 = vector.broadcast %sign3A_195 : i32 to vector<16xi32>
      %sign3A_197 = arith.cmpi slt, %add3A_187, %sign3A_196 : vector<16xi32>
      %sign3A_198 = arith.extui %sign3A_197 : vector<16xi1> to vector<16xi32>
      %sign3A_199 = arith.subi %sign3A_194, %sign3A_198 : vector<16xi32>
      %sign3A_200 = arith.constant 0 : i32
      %sign3A_201 = arith.cmpi sgt, %jit3A_188, %sign3A_200 : i32
      %sign3A_202 = arith.extui %sign3A_201 : i1 to i32
      %sign3A_203 = arith.constant 0 : i32
      %sign3A_204 = arith.cmpi slt, %jit3A_188, %sign3A_203 : i32
      %sign3A_205 = arith.extui %sign3A_204 : i1 to i32
      %sign3A_206 = arith.subi %sign3A_202, %sign3A_205 : i32
      %ne3A_207 = vector.broadcast %sign3A_206 : i32 to vector<16xi32>
      %ne3A_208 = arith.cmpi ne, %sign3A_199, %ne3A_207 : vector<16xi32>
      %rem3A_209 = vector.broadcast %jit3A_188 : i32 to vector<16xi32>
      %rem3A_210 = arith.remsi %add3A_187, %rem3A_209 : vector<16xi32>
      %ne3A_211 = arith.constant 0 : i32
      %ne3A_212 = vector.broadcast %ne3A_211 : i32 to vector<16xi32>
      %ne3A_213 = arith.cmpi ne, %rem3A_210, %ne3A_212 : vector<16xi32>
      %and3A_214 = arith.andi %ne3A_208, %ne3A_213 : vector<16xi1>
      %sub3A_215 = arith.constant 1 : i32
      %sub3A_216 = vector.broadcast %sub3A_215 : i32 to vector<16xi32>
      %sub3A_217 = arith.subi %div3A_190, %sub3A_216 : vector<16xi32>
      %select_n3A_218 = arith.select %and3A_214, %sub3A_217, %div3A_190 : vector<16xi1>, vector<16xi32>
      %mul3A_219 = arith.constant 12 : i32
      %mul3A_220 = vector.broadcast %mul3A_219 : i32 to vector<16xi32>
      %mul3A_221 = arith.muli %select_n3A_218, %mul3A_220 : vector<16xi32>
      %sub3A_222 = arith.subi %add3A_187, %mul3A_221 : vector<16xi32>
      %gather3A_223 = tpu.vector_load_idx %arg10[%select_n3A_218] : memref<640xi32, #tpu.memory_space<vmem>>[vector<16xi32>], vector<16xi32>,
      %mul3A_224 = arith.constant 12 : i32
      %mul3A_225 = vector.broadcast %mul3A_224 : i32 to vector<16xi32>
      %mul3A_226 = arith.muli %gather3A_223, %mul3A_225 : vector<16xi32>
      %add3A_227 = arith.addi %mul3A_226, %sub3A_222 : vector<16xi32>
      %swap3A_228 = arith.index_cast %scan3A_84 : i32 to index
      %swap3A_229 = arith.constant 32 : index
      %swap3A_230 = tpu.vector_load %arg11[%swap3A_228, %swap3A_229] {strides = array<i32>} : memref<60x128xi32, #tpu.memory_space<vmem>>, vector<16xi32>,
      tpu.vector_store %arg11[%swap3A_228, %swap3A_229], %add3A_227 {strides = array<i32>} : memref<60x128xi32, #tpu.memory_space<vmem>>, vector<16xi32>,
      %mul3A_231 = arith.constant 8 : i32
      %mul3A_232 = arith.muli %scan3A_84, %mul3A_231 : i32
      %add3A_233 = arith.constant 3 : i32
      %add3A_234 = arith.addi %mul3A_232, %add3A_233 : i32
      %mul3A_235 = arith.constant 16 : i32
      %mul3A_236 = arith.muli %add3A_234, %mul3A_235 : i32
      %iota3A_237 = tpu.iota {dimensions = array<i32: 0>} : vector<16xi32>
      %add3A_238 = vector.broadcast %mul3A_236 : i32 to vector<16xi32>
      %add3A_239 = arith.addi %add3A_238, %iota3A_237 : vector<16xi32>
      %jit3A_240 = arith.constant 12 : i32
      %div3A_241 = vector.broadcast %jit3A_240 : i32 to vector<16xi32>
      %div3A_242 = arith.divsi %add3A_239, %div3A_241 : vector<16xi32>
      %sign3A_243 = arith.constant 0 : i32
      %sign3A_244 = vector.broadcast %sign3A_243 : i32 to vector<16xi32>
      %sign3A_245 = arith.cmpi sgt, %add3A_239, %sign3A_244 : vector<16xi32>
      %sign3A_246 = arith.extui %sign3A_245 : vector<16xi1> to vector<16xi32>
      %sign3A_247 = arith.constant 0 : i32
      %sign3A_248 = vector.broadcast %sign3A_247 : i32 to vector<16xi32>
      %sign3A_249 = arith.cmpi slt, %add3A_239, %sign3A_248 : vector<16xi32>
      %sign3A_250 = arith.extui %sign3A_249 : vector<16xi1> to vector<16xi32>
      %sign3A_251 = arith.subi %sign3A_246, %sign3A_250 : vector<16xi32>
      %sign3A_252 = arith.constant 0 : i32
      %sign3A_253 = arith.cmpi sgt, %jit3A_240, %sign3A_252 : i32
      %sign3A_254 = arith.extui %sign3A_253 : i1 to i32
      %sign3A_255 = arith.constant 0 : i32
      %sign3A_256 = arith.cmpi slt, %jit3A_240, %sign3A_255 : i32
      %sign3A_257 = arith.extui %sign3A_256 : i1 to i32
      %sign3A_258 = arith.subi %sign3A_254, %sign3A_257 : i32
      %ne3A_259 = vector.broadcast %sign3A_258 : i32 to vector<16xi32>
      %ne3A_260 = arith.cmpi ne, %sign3A_251, %ne3A_259 : vector<16xi32>
      %rem3A_261 = vector.broadcast %jit3A_240 : i32 to vector<16xi32>
      %rem3A_262 = arith.remsi %add3A_239, %rem3A_261 : vector<16xi32>
      %ne3A_263 = arith.constant 0 : i32
      %ne3A_264 = vector.broadcast %ne3A_263 : i32 to vector<16xi32>
      %ne3A_265 = arith.cmpi ne, %rem3A_262, %ne3A_264 : vector<16xi32>
      %and3A_266 = arith.andi %ne3A_260, %ne3A_265 : vector<16xi1>
      %sub3A_267 = arith.constant 1 : i32
      %sub3A_268 = vector.broadcast %sub3A_267 : i32 to vector<16xi32>
      %sub3A_269 = arith.subi %div3A_242, %sub3A_268 : vector<16xi32>
      %select_n3A_270 = arith.select %and3A_266, %sub3A_269, %div3A_242 : vector<16xi1>, vector<16xi32>
      %mul3A_271 = arith.constant 12 : i32
      %mul3A_272 = vector.broadcast %mul3A_271 : i32 to vector<16xi32>
      %mul3A_273 = arith.muli %select_n3A_270, %mul3A_272 : vector<16xi32>
      %sub3A_274 = arith.subi %add3A_239, %mul3A_273 : vector<16xi32>
      %gather3A_275 = tpu.vector_load_idx %arg10[%select_n3A_270] : memref<640xi32, #tpu.memory_space<vmem>>[vector<16xi32>], vector<16xi32>,
      %mul3A_276 = arith.constant 12 : i32
      %mul3A_277 = vector.broadcast %mul3A_276 : i32 to vector<16xi32>
      %mul3A_278 = arith.muli %gather3A_275, %mul3A_277 : vector<16xi32>
      %add3A_279 = arith.addi %mul3A_278, %sub3A_274 : vector<16xi32>
      %swap3A_280 = arith.index_cast %scan3A_84 : i32 to index
      %swap3A_281 = arith.constant 48 : index
      %swap3A_282 = tpu.vector_load %arg11[%swap3A_280, %swap3A_281] {strides = array<i32>} : memref<60x128xi32, #tpu.memory_space<vmem>>, vector<16xi32>,
      tpu.vector_store %arg11[%swap3A_280, %swap3A_281], %add3A_279 {strides = array<i32>} : memref<60x128xi32, #tpu.memory_space<vmem>>, vector<16xi32>,
      %mul3A_283 = arith.constant 8 : i32
      %mul3A_284 = arith.muli %scan3A_84, %mul3A_283 : i32
      %add3A_285 = arith.constant 4 : i32
      %add3A_286 = arith.addi %mul3A_284, %add3A_285 : i32
      %mul3A_287 = arith.constant 16 : i32
      %mul3A_288 = arith.muli %add3A_286, %mul3A_287 : i32
      %iota3A_289 = tpu.iota {dimensions = array<i32: 0>} : vector<16xi32>
      %add3A_290 = vector.broadcast %mul3A_288 : i32 to vector<16xi32>
      %add3A_291 = arith.addi %add3A_290, %iota3A_289 : vector<16xi32>
      %jit3A_292 = arith.constant 12 : i32
      %div3A_293 = vector.broadcast %jit3A_292 : i32 to vector<16xi32>
      %div3A_294 = arith.divsi %add3A_291, %div3A_293 : vector<16xi32>
      %sign3A_295 = arith.constant 0 : i32
      %sign3A_296 = vector.broadcast %sign3A_295 : i32 to vector<16xi32>
      %sign3A_297 = arith.cmpi sgt, %add3A_291, %sign3A_296 : vector<16xi32>
      %sign3A_298 = arith.extui %sign3A_297 : vector<16xi1> to vector<16xi32>
      %sign3A_299 = arith.constant 0 : i32
      %sign3A_300 = vector.broadcast %sign3A_299 : i32 to vector<16xi32>
      %sign3A_301 = arith.cmpi slt, %add3A_291, %sign3A_300 : vector<16xi32>
      %sign3A_302 = arith.extui %sign3A_301 : vector<16xi1> to vector<16xi32>
      %sign3A_303 = arith.subi %sign3A_298, %sign3A_302 : vector<16xi32>
      %sign3A_304 = arith.constant 0 : i32
      %sign3A_305 = arith.cmpi sgt, %jit3A_292, %sign3A_304 : i32
      %sign3A_306 = arith.extui %sign3A_305 : i1 to i32
      %sign3A_307 = arith.constant 0 : i32
      %sign3A_308 = arith.cmpi slt, %jit3A_292, %sign3A_307 : i32
      %sign3A_309 = arith.extui %sign3A_308 : i1 to i32
      %sign3A_310 = arith.subi %sign3A_306, %sign3A_309 : i32
      %ne3A_311 = vector.broadcast %sign3A_310 : i32 to vector<16xi32>
      %ne3A_312 = arith.cmpi ne, %sign3A_303, %ne3A_311 : vector<16xi32>
      %rem3A_313 = vector.broadcast %jit3A_292 : i32 to vector<16xi32>
      %rem3A_314 = arith.remsi %add3A_291, %rem3A_313 : vector<16xi32>
      %ne3A_315 = arith.constant 0 : i32
      %ne3A_316 = vector.broadcast %ne3A_315 : i32 to vector<16xi32>
      %ne3A_317 = arith.cmpi ne, %rem3A_314, %ne3A_316 : vector<16xi32>
      %and3A_318 = arith.andi %ne3A_312, %ne3A_317 : vector<16xi1>
      %sub3A_319 = arith.constant 1 : i32
      %sub3A_320 = vector.broadcast %sub3A_319 : i32 to vector<16xi32>
      %sub3A_321 = arith.subi %div3A_294, %sub3A_320 : vector<16xi32>
      %select_n3A_322 = arith.select %and3A_318, %sub3A_321, %div3A_294 : vector<16xi1>, vector<16xi32>
      %mul3A_323 = arith.constant 12 : i32
      %mul3A_324 = vector.broadcast %mul3A_323 : i32 to vector<16xi32>
      %mul3A_325 = arith.muli %select_n3A_322, %mul3A_324 : vector<16xi32>
      %sub3A_326 = arith.subi %add3A_291, %mul3A_325 : vector<16xi32>
      %gather3A_327 = tpu.vector_load_idx %arg10[%select_n3A_322] : memref<640xi32, #tpu.memory_space<vmem>>[vector<16xi32>], vector<16xi32>,
      %mul3A_328 = arith.constant 12 : i32
      %mul3A_329 = vector.broadcast %mul3A_328 : i32 to vector<16xi32>
      %mul3A_330 = arith.muli %gather3A_327, %mul3A_329 : vector<16xi32>
      %add3A_331 = arith.addi %mul3A_330, %sub3A_326 : vector<16xi32>
      %swap3A_332 = arith.index_cast %scan3A_84 : i32 to index
      %swap3A_333 = arith.constant 64 : index
      %swap3A_334 = tpu.vector_load %arg11[%swap3A_332, %swap3A_333] {strides = array<i32>} : memref<60x128xi32, #tpu.memory_space<vmem>>, vector<16xi32>,
      tpu.vector_store %arg11[%swap3A_332, %swap3A_333], %add3A_331 {strides = array<i32>} : memref<60x128xi32, #tpu.memory_space<vmem>>, vector<16xi32>,
      %mul3A_335 = arith.constant 8 : i32
      %mul3A_336 = arith.muli %scan3A_84, %mul3A_335 : i32
      %add3A_337 = arith.constant 5 : i32
      %add3A_338 = arith.addi %mul3A_336, %add3A_337 : i32
      %mul3A_339 = arith.constant 16 : i32
      %mul3A_340 = arith.muli %add3A_338, %mul3A_339 : i32
      %iota3A_341 = tpu.iota {dimensions = array<i32: 0>} : vector<16xi32>
      %add3A_342 = vector.broadcast %mul3A_340 : i32 to vector<16xi32>
      %add3A_343 = arith.addi %add3A_342, %iota3A_341 : vector<16xi32>
      %jit3A_344 = arith.constant 12 : i32
      %div3A_345 = vector.broadcast %jit3A_344 : i32 to vector<16xi32>
      %div3A_346 = arith.divsi %add3A_343, %div3A_345 : vector<16xi32>
      %sign3A_347 = arith.constant 0 : i32
      %sign3A_348 = vector.broadcast %sign3A_347 : i32 to vector<16xi32>
      %sign3A_349 = arith.cmpi sgt, %add3A_343, %sign3A_348 : vector<16xi32>
      %sign3A_350 = arith.extui %sign3A_349 : vector<16xi1> to vector<16xi32>
      %sign3A_351 = arith.constant 0 : i32
      %sign3A_352 = vector.broadcast %sign3A_351 : i32 to vector<16xi32>
      %sign3A_353 = arith.cmpi slt, %add3A_343, %sign3A_352 : vector<16xi32>
      %sign3A_354 = arith.extui %sign3A_353 : vector<16xi1> to vector<16xi32>
      %sign3A_355 = arith.subi %sign3A_350, %sign3A_354 : vector<16xi32>
      %sign3A_356 = arith.constant 0 : i32
      %sign3A_357 = arith.cmpi sgt, %jit3A_344, %sign3A_356 : i32
      %sign3A_358 = arith.extui %sign3A_357 : i1 to i32
      %sign3A_359 = arith.constant 0 : i32
      %sign3A_360 = arith.cmpi slt, %jit3A_344, %sign3A_359 : i32
      %sign3A_361 = arith.extui %sign3A_360 : i1 to i32
      %sign3A_362 = arith.subi %sign3A_358, %sign3A_361 : i32
      %ne3A_363 = vector.broadcast %sign3A_362 : i32 to vector<16xi32>
      %ne3A_364 = arith.cmpi ne, %sign3A_355, %ne3A_363 : vector<16xi32>
      %rem3A_365 = vector.broadcast %jit3A_344 : i32 to vector<16xi32>
      %rem3A_366 = arith.remsi %add3A_343, %rem3A_365 : vector<16xi32>
      %ne3A_367 = arith.constant 0 : i32
      %ne3A_368 = vector.broadcast %ne3A_367 : i32 to vector<16xi32>
      %ne3A_369 = arith.cmpi ne, %rem3A_366, %ne3A_368 : vector<16xi32>
      %and3A_370 = arith.andi %ne3A_364, %ne3A_369 : vector<16xi1>
      %sub3A_371 = arith.constant 1 : i32
      %sub3A_372 = vector.broadcast %sub3A_371 : i32 to vector<16xi32>
      %sub3A_373 = arith.subi %div3A_346, %sub3A_372 : vector<16xi32>
      %select_n3A_374 = arith.select %and3A_370, %sub3A_373, %div3A_346 : vector<16xi1>, vector<16xi32>
      %mul3A_375 = arith.constant 12 : i32
      %mul3A_376 = vector.broadcast %mul3A_375 : i32 to vector<16xi32>
      %mul3A_377 = arith.muli %select_n3A_374, %mul3A_376 : vector<16xi32>
      %sub3A_378 = arith.subi %add3A_343, %mul3A_377 : vector<16xi32>
      %gather3A_379 = tpu.vector_load_idx %arg10[%select_n3A_374] : memref<640xi32, #tpu.memory_space<vmem>>[vector<16xi32>], vector<16xi32>,
      %mul3A_380 = arith.constant 12 : i32
      %mul3A_381 = vector.broadcast %mul3A_380 : i32 to vector<16xi32>
      %mul3A_382 = arith.muli %gather3A_379, %mul3A_381 : vector<16xi32>
      %add3A_383 = arith.addi %mul3A_382, %sub3A_378 : vector<16xi32>
      %swap3A_384 = arith.index_cast %scan3A_84 : i32 to index
      %swap3A_385 = arith.constant 80 : index
      %swap3A_386 = tpu.vector_load %arg11[%swap3A_384, %swap3A_385] {strides = array<i32>} : memref<60x128xi32, #tpu.memory_space<vmem>>, vector<16xi32>,
      tpu.vector_store %arg11[%swap3A_384, %swap3A_385], %add3A_383 {strides = array<i32>} : memref<60x128xi32, #tpu.memory_space<vmem>>, vector<16xi32>,
      %mul3A_387 = arith.constant 8 : i32
      %mul3A_388 = arith.muli %scan3A_84, %mul3A_387 : i32
      %add3A_389 = arith.constant 6 : i32
      %add3A_390 = arith.addi %mul3A_388, %add3A_389 : i32
      %mul3A_391 = arith.constant 16 : i32
      %mul3A_392 = arith.muli %add3A_390, %mul3A_391 : i32
      %iota3A_393 = tpu.iota {dimensions = array<i32: 0>} : vector<16xi32>
      %add3A_394 = vector.broadcast %mul3A_392 : i32 to vector<16xi32>
      %add3A_395 = arith.addi %add3A_394, %iota3A_393 : vector<16xi32>
      %jit3A_396 = arith.constant 12 : i32
      %div3A_397 = vector.broadcast %jit3A_396 : i32 to vector<16xi32>
      %div3A_398 = arith.divsi %add3A_395, %div3A_397 : vector<16xi32>
      %sign3A_399 = arith.constant 0 : i32
      %sign3A_400 = vector.broadcast %sign3A_399 : i32 to vector<16xi32>
      %sign3A_401 = arith.cmpi sgt, %add3A_395, %sign3A_400 : vector<16xi32>
      %sign3A_402 = arith.extui %sign3A_401 : vector<16xi1> to vector<16xi32>
      %sign3A_403 = arith.constant 0 : i32
      %sign3A_404 = vector.broadcast %sign3A_403 : i32 to vector<16xi32>
      %sign3A_405 = arith.cmpi slt, %add3A_395, %sign3A_404 : vector<16xi32>
      %sign3A_406 = arith.extui %sign3A_405 : vector<16xi1> to vector<16xi32>
      %sign3A_407 = arith.subi %sign3A_402, %sign3A_406 : vector<16xi32>
      %sign3A_408 = arith.constant 0 : i32
      %sign3A_409 = arith.cmpi sgt, %jit3A_396, %sign3A_408 : i32
      %sign3A_410 = arith.extui %sign3A_409 : i1 to i32
      %sign3A_411 = arith.constant 0 : i32
      %sign3A_412 = arith.cmpi slt, %jit3A_396, %sign3A_411 : i32
      %sign3A_413 = arith.extui %sign3A_412 : i1 to i32
      %sign3A_414 = arith.subi %sign3A_410, %sign3A_413 : i32
      %ne3A_415 = vector.broadcast %sign3A_414 : i32 to vector<16xi32>
      %ne3A_416 = arith.cmpi ne, %sign3A_407, %ne3A_415 : vector<16xi32>
      %rem3A_417 = vector.broadcast %jit3A_396 : i32 to vector<16xi32>
      %rem3A_418 = arith.remsi %add3A_395, %rem3A_417 : vector<16xi32>
      %ne3A_419 = arith.constant 0 : i32
      %ne3A_420 = vector.broadcast %ne3A_419 : i32 to vector<16xi32>
      %ne3A_421 = arith.cmpi ne, %rem3A_418, %ne3A_420 : vector<16xi32>
      %and3A_422 = arith.andi %ne3A_416, %ne3A_421 : vector<16xi1>
      %sub3A_423 = arith.constant 1 : i32
      %sub3A_424 = vector.broadcast %sub3A_423 : i32 to vector<16xi32>
      %sub3A_425 = arith.subi %div3A_398, %sub3A_424 : vector<16xi32>
      %select_n3A_426 = arith.select %and3A_422, %sub3A_425, %div3A_398 : vector<16xi1>, vector<16xi32>
      %mul3A_427 = arith.constant 12 : i32
      %mul3A_428 = vector.broadcast %mul3A_427 : i32 to vector<16xi32>
      %mul3A_429 = arith.muli %select_n3A_426, %mul3A_428 : vector<16xi32>
      %sub3A_430 = arith.subi %add3A_395, %mul3A_429 : vector<16xi32>
      %gather3A_431 = tpu.vector_load_idx %arg10[%select_n3A_426] : memref<640xi32, #tpu.memory_space<vmem>>[vector<16xi32>], vector<16xi32>,
      %mul3A_432 = arith.constant 12 : i32
      %mul3A_433 = vector.broadcast %mul3A_432 : i32 to vector<16xi32>
      %mul3A_434 = arith.muli %gather3A_431, %mul3A_433 : vector<16xi32>
      %add3A_435 = arith.addi %mul3A_434, %sub3A_430 : vector<16xi32>
      %swap3A_436 = arith.index_cast %scan3A_84 : i32 to index
      %swap3A_437 = arith.constant 96 : index
      %swap3A_438 = tpu.vector_load %arg11[%swap3A_436, %swap3A_437] {strides = array<i32>} : memref<60x128xi32, #tpu.memory_space<vmem>>, vector<16xi32>,
      tpu.vector_store %arg11[%swap3A_436, %swap3A_437], %add3A_435 {strides = array<i32>} : memref<60x128xi32, #tpu.memory_space<vmem>>, vector<16xi32>,
      %mul3A_439 = arith.constant 8 : i32
      %mul3A_440 = arith.muli %scan3A_84, %mul3A_439 : i32
      %add3A_441 = arith.constant 7 : i32
      %add3A_442 = arith.addi %mul3A_440, %add3A_441 : i32
      %mul3A_443 = arith.constant 16 : i32
      %mul3A_444 = arith.muli %add3A_442, %mul3A_443 : i32
      %iota3A_445 = tpu.iota {dimensions = array<i32: 0>} : vector<16xi32>
      %add3A_446 = vector.broadcast %mul3A_444 : i32 to vector<16xi32>
      %add3A_447 = arith.addi %add3A_446, %iota3A_445 : vector<16xi32>
      %jit3A_448 = arith.constant 12 : i32
      %div3A_449 = vector.broadcast %jit3A_448 : i32 to vector<16xi32>
      %div3A_450 = arith.divsi %add3A_447, %div3A_449 : vector<16xi32>
      %sign3A_451 = arith.constant 0 : i32
      %sign3A_452 = vector.broadcast %sign3A_451 : i32 to vector<16xi32>
      %sign3A_453 = arith.cmpi sgt, %add3A_447, %sign3A_452 : vector<16xi32>
      %sign3A_454 = arith.extui %sign3A_453 : vector<16xi1> to vector<16xi32>
      %sign3A_455 = arith.constant 0 : i32
      %sign3A_456 = vector.broadcast %sign3A_455 : i32 to vector<16xi32>
      %sign3A_457 = arith.cmpi slt, %add3A_447, %sign3A_456 : vector<16xi32>
      %sign3A_458 = arith.extui %sign3A_457 : vector<16xi1> to vector<16xi32>
      %sign3A_459 = arith.subi %sign3A_454, %sign3A_458 : vector<16xi32>
      %sign3A_460 = arith.constant 0 : i32
      %sign3A_461 = arith.cmpi sgt, %jit3A_448, %sign3A_460 : i32
      %sign3A_462 = arith.extui %sign3A_461 : i1 to i32
      %sign3A_463 = arith.constant 0 : i32
      %sign3A_464 = arith.cmpi slt, %jit3A_448, %sign3A_463 : i32
      %sign3A_465 = arith.extui %sign3A_464 : i1 to i32
      %sign3A_466 = arith.subi %sign3A_462, %sign3A_465 : i32
      %ne3A_467 = vector.broadcast %sign3A_466 : i32 to vector<16xi32>
      %ne3A_468 = arith.cmpi ne, %sign3A_459, %ne3A_467 : vector<16xi32>
      %rem3A_469 = vector.broadcast %jit3A_448 : i32 to vector<16xi32>
      %rem3A_470 = arith.remsi %add3A_447, %rem3A_469 : vector<16xi32>
      %ne3A_471 = arith.constant 0 : i32
      %ne3A_472 = vector.broadcast %ne3A_471 : i32 to vector<16xi32>
      %ne3A_473 = arith.cmpi ne, %rem3A_470, %ne3A_472 : vector<16xi32>
      %and3A_474 = arith.andi %ne3A_468, %ne3A_473 : vector<16xi1>
      %sub3A_475 = arith.constant 1 : i32
      %sub3A_476 = vector.broadcast %sub3A_475 : i32 to vector<16xi32>
      %sub3A_477 = arith.subi %div3A_450, %sub3A_476 : vector<16xi32>
      %select_n3A_478 = arith.select %and3A_474, %sub3A_477, %div3A_450 : vector<16xi1>, vector<16xi32>
      %mul3A_479 = arith.constant 12 : i32
      %mul3A_480 = vector.broadcast %mul3A_479 : i32 to vector<16xi32>
      %mul3A_481 = arith.muli %select_n3A_478, %mul3A_480 : vector<16xi32>
      %sub3A_482 = arith.subi %add3A_447, %mul3A_481 : vector<16xi32>
      %gather3A_483 = tpu.vector_load_idx %arg10[%select_n3A_478] : memref<640xi32, #tpu.memory_space<vmem>>[vector<16xi32>], vector<16xi32>,
      %mul3A_484 = arith.constant 12 : i32
      %mul3A_485 = vector.broadcast %mul3A_484 : i32 to vector<16xi32>
      %mul3A_486 = arith.muli %gather3A_483, %mul3A_485 : vector<16xi32>
      %add3A_487 = arith.addi %mul3A_486, %sub3A_482 : vector<16xi32>
      %swap3A_488 = arith.index_cast %scan3A_84 : i32 to index
      %swap3A_489 = arith.constant 112 : index
      %swap3A_490 = tpu.vector_load %arg11[%swap3A_488, %swap3A_489] {strides = array<i32>} : memref<60x128xi32, #tpu.memory_space<vmem>>, vector<16xi32>,
      tpu.vector_store %arg11[%swap3A_488, %swap3A_489], %add3A_487 {strides = array<i32>} : memref<60x128xi32, #tpu.memory_space<vmem>>, vector<16xi32>,
      %scan3A_491 = arith.constant 0 : i32
      scf.yield %scan3A_491 : i32
    }
    %scan3A_8 = arith.constant 60 : i32
    %dma_start3A = arith.constant 0 : i32
    %dma_start3A_9 = arith.constant 0 : i32
    %dma_start3A_10 = arith.constant 0 : i32
    %dma_start3A_11 = tpu.memref_slice %arg12[%dma_start3A_9, %dma_start3A_10] : memref<60x128xi32, #tpu.memory_space<vmem>> -> memref<1x128xi32, #tpu.memory_space<vmem>>
    %dma_start3A_12 = tpu.memref_squeeze %dma_start3A_11 : memref<1x128xi32, #tpu.memory_space<vmem>> -> memref<128xi32, #tpu.memory_space<vmem>>
    %dma_start3A_13 = arith.constant 0 : i32
    %dma_start3A_14 = tpu.memref_slice %arg11[%dma_start3A, %dma_start3A_13] : memref<60x128xi32, #tpu.memory_space<vmem>> -> memref<1x128xi32, #tpu.memory_space<vmem>>
    %dma_start3A_15 = tpu.memref_squeeze %dma_start3A_14 : memref<1x128xi32, #tpu.memory_space<vmem>> -> memref<128xi32, #tpu.memory_space<vmem>>
    %dma_start3A_16 = arith.constant 0 : i32
    %dma_start3A_17 = tpu.memref_slice %arg2[%dma_start3A_16] : memref<486012xi32, #tpu.memory_space<hbm>> -> memref<486012xi32, #tpu.memory_space<hbm>>
    tpu.enqueue_indirect_dma source(%dma_start3A_17 : memref<486012xi32, #tpu.memory_space<hbm>>) target(%dma_start3A_12 : memref<128xi32, #tpu.memory_space<vmem>>) offsets(%dma_start3A_15 : memref<128xi32, #tpu.memory_space<vmem>>) semaphore(%arg16 : memref<!tpu.dma_semaphore, #tpu.memory_space<semaphore_mem>>)
    %dma_start3A_18 = arith.constant 0 : i32
    %dma_start3A_19 = arith.constant 0 : i32
    %dma_start3A_20 = arith.constant 0 : i32
    %dma_start3A_21 = tpu.memref_slice %arg13[%dma_start3A_19, %dma_start3A_20] : memref<60x128xf32, #tpu.memory_space<vmem>> -> memref<1x128xf32, #tpu.memory_space<vmem>>
    %dma_start3A_22 = tpu.memref_squeeze %dma_start3A_21 : memref<1x128xf32, #tpu.memory_space<vmem>> -> memref<128xf32, #tpu.memory_space<vmem>>
    %dma_start3A_23 = arith.constant 0 : i32
    %dma_start3A_24 = tpu.memref_slice %arg11[%dma_start3A_18, %dma_start3A_23] : memref<60x128xi32, #tpu.memory_space<vmem>> -> memref<1x128xi32, #tpu.memory_space<vmem>>
    %dma_start3A_25 = tpu.memref_squeeze %dma_start3A_24 : memref<1x128xi32, #tpu.memory_space<vmem>> -> memref<128xi32, #tpu.memory_space<vmem>>
    %dma_start3A_26 = arith.constant 0 : i32
    %dma_start3A_27 = tpu.memref_slice %arg3[%dma_start3A_26] : memref<486012xf32, #tpu.memory_space<hbm>> -> memref<486012xf32, #tpu.memory_space<hbm>>
    tpu.enqueue_indirect_dma source(%dma_start3A_27 : memref<486012xf32, #tpu.memory_space<hbm>>) target(%dma_start3A_22 : memref<128xf32, #tpu.memory_space<vmem>>) offsets(%dma_start3A_25 : memref<128xi32, #tpu.memory_space<vmem>>) semaphore(%arg17 : memref<!tpu.dma_semaphore, #tpu.memory_space<semaphore_mem>>)
    %scan3A_28 = arith.constant 0 : i32
    %scan3A_29 = arith.constant 0 : i32
    %scan3A_30 = arith.constant 60 : i32
    %scan3A_31 = arith.addi %scan3A_29, %scan3A_30 : i32
    %scan3A_32 = arith.constant 1 : i32
    %scan3A_33 = scf.for %scan3A_84 = %scan3A_29 to %scan3A_31 step %scan3A_32 iter_args(%scan3A_85 = %scan3A_28) -> (i32)  : i32 {
      %lt3A = arith.constant 59 : i32
      %lt3A_86 = arith.cmpi slt, %scan3A_84, %lt3A : i32
      %convert_element_type3A = arith.extui %lt3A_86 : i1 to i32
      %cond3A = arith.constant 0 : i32
      %cond3A_87 = arith.cmpi ne, %convert_element_type3A, %cond3A : i32
      scf.if %cond3A_87 {
        %add3A_104 = arith.constant 1 : i32
        %add3A_105 = arith.addi %scan3A_84, %add3A_104 : i32
        %add3A_106 = arith.constant 1 : i32
        %add3A_107 = arith.addi %scan3A_84, %add3A_106 : i32
        %dma_start3A_108 = arith.constant 0 : i32
        %dma_start3A_109 = tpu.memref_slice %arg12[%add3A_107, %dma_start3A_108] : memref<60x128xi32, #tpu.memory_space<vmem>> -> memref<1x128xi32, #tpu.memory_space<vmem>>
        %dma_start3A_110 = tpu.memref_squeeze %dma_start3A_109 : memref<1x128xi32, #tpu.memory_space<vmem>> -> memref<128xi32, #tpu.memory_space<vmem>>
        %dma_start3A_111 = arith.constant 0 : i32
        %dma_start3A_112 = tpu.memref_slice %arg11[%add3A_105, %dma_start3A_111] : memref<60x128xi32, #tpu.memory_space<vmem>> -> memref<1x128xi32, #tpu.memory_space<vmem>>
        %dma_start3A_113 = tpu.memref_squeeze %dma_start3A_112 : memref<1x128xi32, #tpu.memory_space<vmem>> -> memref<128xi32, #tpu.memory_space<vmem>>
        %dma_start3A_114 = arith.constant 0 : i32
        %dma_start3A_115 = tpu.memref_slice %arg2[%dma_start3A_114] : memref<486012xi32, #tpu.memory_space<hbm>> -> memref<486012xi32, #tpu.memory_space<hbm>>
        tpu.enqueue_indirect_dma source(%dma_start3A_115 : memref<486012xi32, #tpu.memory_space<hbm>>) target(%dma_start3A_110 : memref<128xi32, #tpu.memory_space<vmem>>) offsets(%dma_start3A_113 : memref<128xi32, #tpu.memory_space<vmem>>) semaphore(%arg16 : memref<!tpu.dma_semaphore, #tpu.memory_space<semaphore_mem>>)
        %add3A_116 = arith.constant 1 : i32
        %add3A_117 = arith.addi %scan3A_84, %add3A_116 : i32
        %add3A_118 = arith.constant 1 : i32
        %add3A_119 = arith.addi %scan3A_84, %add3A_118 : i32
        %dma_start3A_120 = arith.constant 0 : i32
        %dma_start3A_121 = tpu.memref_slice %arg13[%add3A_119, %dma_start3A_120] : memref<60x128xf32, #tpu.memory_space<vmem>> -> memref<1x128xf32, #tpu.memory_space<vmem>>
        %dma_start3A_122 = tpu.memref_squeeze %dma_start3A_121 : memref<1x128xf32, #tpu.memory_space<vmem>> -> memref<128xf32, #tpu.memory_space<vmem>>
        %dma_start3A_123 = arith.constant 0 : i32
        %dma_start3A_124 = tpu.memref_slice %arg11[%add3A_117, %dma_start3A_123] : memref<60x128xi32, #tpu.memory_space<vmem>> -> memref<1x128xi32, #tpu.memory_space<vmem>>
        %dma_start3A_125 = tpu.memref_squeeze %dma_start3A_124 : memref<1x128xi32, #tpu.memory_space<vmem>> -> memref<128xi32, #tpu.memory_space<vmem>>
        %dma_start3A_126 = arith.constant 0 : i32
        %dma_start3A_127 = tpu.memref_slice %arg3[%dma_start3A_126] : memref<486012xf32, #tpu.memory_space<hbm>> -> memref<486012xf32, #tpu.memory_space<hbm>>
        tpu.enqueue_indirect_dma source(%dma_start3A_127 : memref<486012xf32, #tpu.memory_space<hbm>>) target(%dma_start3A_122 : memref<128xf32, #tpu.memory_space<vmem>>) offsets(%dma_start3A_125 : memref<128xi32, #tpu.memory_space<vmem>>) semaphore(%arg17 : memref<!tpu.dma_semaphore, #tpu.memory_space<semaphore_mem>>)
      } else {
      }
      %dma_wait3A = arith.constant 0 : i32
      %dma_wait3A_88 = tpu.memref_slice %arg12[%scan3A_84, %dma_wait3A] : memref<60x128xi32, #tpu.memory_space<vmem>> -> memref<1x128xi32, #tpu.memory_space<vmem>>
      %dma_wait3A_89 = tpu.memref_squeeze %dma_wait3A_88 : memref<1x128xi32, #tpu.memory_space<vmem>> -> memref<128xi32, #tpu.memory_space<vmem>>
      %dma_wait3A_90 = arith.constant 0 : i32
      %dma_wait3A_91 = tpu.memref_slice %arg11[%scan3A_84, %dma_wait3A_90] : memref<60x128xi32, #tpu.memory_space<vmem>> -> memref<1x128xi32, #tpu.memory_space<vmem>>
      %dma_wait3A_92 = tpu.memref_squeeze %dma_wait3A_91 : memref<1x128xi32, #tpu.memory_space<vmem>> -> memref<128xi32, #tpu.memory_space<vmem>>
      %dma_wait3A_93 = arith.constant 0 : i32
      %dma_wait3A_94 = tpu.memref_slice %arg2[%dma_wait3A_93] : memref<486012xi32, #tpu.memory_space<hbm>> -> memref<486012xi32, #tpu.memory_space<hbm>>
      tpu.wait_indirect_dma semaphore(%arg16 : memref<!tpu.dma_semaphore, #tpu.memory_space<semaphore_mem>>) src(%dma_wait3A_94 : memref<486012xi32, #tpu.memory_space<hbm>>) dst(%dma_wait3A_89 : memref<128xi32, #tpu.memory_space<vmem>>)
      %dma_wait3A_95 = arith.constant 0 : i32
      %dma_wait3A_96 = tpu.memref_slice %arg13[%scan3A_84, %dma_wait3A_95] : memref<60x128xf32, #tpu.memory_space<vmem>> -> memref<1x128xf32, #tpu.memory_space<vmem>>
      %dma_wait3A_97 = tpu.memref_squeeze %dma_wait3A_96 : memref<1x128xf32, #tpu.memory_space<vmem>> -> memref<128xf32, #tpu.memory_space<vmem>>
      %dma_wait3A_98 = arith.constant 0 : i32
      %dma_wait3A_99 = tpu.memref_slice %arg11[%scan3A_84, %dma_wait3A_98] : memref<60x128xi32, #tpu.memory_space<vmem>> -> memref<1x128xi32, #tpu.memory_space<vmem>>
      %dma_wait3A_100 = tpu.memref_squeeze %dma_wait3A_99 : memref<1x128xi32, #tpu.memory_space<vmem>> -> memref<128xi32, #tpu.memory_space<vmem>>
      %dma_wait3A_101 = arith.constant 0 : i32
      %dma_wait3A_102 = tpu.memref_slice %arg3[%dma_wait3A_101] : memref<486012xf32, #tpu.memory_space<hbm>> -> memref<486012xf32, #tpu.memory_space<hbm>>
      tpu.wait_indirect_dma semaphore(%arg17 : memref<!tpu.dma_semaphore, #tpu.memory_space<semaphore_mem>>) src(%dma_wait3A_102 : memref<486012xf32, #tpu.memory_space<hbm>>) dst(%dma_wait3A_97 : memref<128xf32, #tpu.memory_space<vmem>>)
      %scan3A_103 = arith.constant 0 : i32
      scf.yield %scan3A_103 : i32
    }
    %scan3A_34 = arith.constant 60 : i32
    "tpu.region"() ({
      %run_scoped3A = tpu.sem_alloc : memref<!tpu.dma_semaphore, #tpu.memory_space<semaphore_mem>>
      %dma_start3A_84 = arith.constant 0 : i32
      %dma_start3A_85 = arith.constant 0 : i32
      %dma_start3A_86 = tpu.memref_slice %arg7[%add3A, %dma_start3A_84, %dma_start3A_85] : memref<32x60x128xf32, #tpu.memory_space<hbm>> -> memref<1x60x128xf32, #tpu.memory_space<hbm>>
      %dma_start3A_87 = tpu.memref_squeeze %dma_start3A_86 : memref<1x60x128xf32, #tpu.memory_space<hbm>> -> memref<60x128xf32, #tpu.memory_space<hbm>>
      %dma_start3A_88 = arith.constant 0 : i32
      %dma_start3A_89 = arith.constant 0 : i32
      %dma_start3A_90 = tpu.memref_slice %arg7[%add3A, %dma_start3A_88, %dma_start3A_89] : memref<32x60x128xf32, #tpu.memory_space<hbm>> -> memref<1x60x128xf32, #tpu.memory_space<hbm>>
      %dma_start3A_91 = tpu.memref_squeeze %dma_start3A_90 : memref<1x60x128xf32, #tpu.memory_space<hbm>> -> memref<60x128xf32, #tpu.memory_space<hbm>>
      tpu.enqueue_dma source(%arg13 : memref<60x128xf32, #tpu.memory_space<vmem>>) target(%dma_start3A_91 : memref<60x128xf32, #tpu.memory_space<hbm>>) target_semaphore(%run_scoped3A : memref<!tpu.dma_semaphore, #tpu.memory_space<semaphore_mem>>)
      %dma_wait3A = arith.constant 0 : i32
      %dma_wait3A_92 = arith.constant 0 : i32
      %dma_wait3A_93 = tpu.memref_slice %arg7[%add3A, %dma_wait3A, %dma_wait3A_92] : memref<32x60x128xf32, #tpu.memory_space<hbm>> -> memref<1x60x128xf32, #tpu.memory_space<hbm>>
      %dma_wait3A_94 = tpu.memref_squeeze %dma_wait3A_93 : memref<1x60x128xf32, #tpu.memory_space<hbm>> -> memref<60x128xf32, #tpu.memory_space<hbm>>
      %dma_wait3A_95 = arith.constant 0 : i32
      %dma_wait3A_96 = arith.constant 0 : i32
      %dma_wait3A_97 = tpu.memref_slice %arg7[%add3A, %dma_wait3A_95, %dma_wait3A_96] : memref<32x60x128xf32, #tpu.memory_space<hbm>> -> memref<1x60x128xf32, #tpu.memory_space<hbm>>
      %dma_wait3A_98 = tpu.memref_squeeze %dma_wait3A_97 : memref<1x60x128xf32, #tpu.memory_space<hbm>> -> memref<60x128xf32, #tpu.memory_space<hbm>>
      tpu.wait_dma2 semaphore(%run_scoped3A : memref<!tpu.dma_semaphore, #tpu.memory_space<semaphore_mem>>) src(%arg13 : memref<60x128xf32, #tpu.memory_space<vmem>>) dst(%dma_wait3A_98 : memref<60x128xf32, #tpu.memory_space<hbm>>)
      tpu.yield
    }) : () -> ()
    %mul3A_35 = arith.constant 7680 : i32
    %mul3A_36 = arith.muli %add3A, %mul3A_35 : i32
    %dma_start3A_37 = arith.constant 0 : i32
    %dma_start3A_38 = arith.constant 0 : i32
    %dma_start3A_39 = arith.constant 0 : i32
    %dma_start3A_40 = arith.constant 0 : i32
    %dma_start3A_41 = tpu.memref_slice %arg15[%dma_start3A_38, %dma_start3A_39, %dma_start3A_40] : memref<2x128x128xf32, #tpu.memory_space<vmem>> -> memref<1x128x128xf32, #tpu.memory_space<vmem>>
    %dma_start3A_42 = tpu.memref_squeeze %dma_start3A_41 : memref<1x128x128xf32, #tpu.memory_space<vmem>> -> memref<128x128xf32, #tpu.memory_space<vmem>>
    %dma_start3A_43 = arith.constant 0 : i32
    %dma_start3A_44 = tpu.memref_slice %arg12[%dma_start3A_37, %dma_start3A_43] : memref<60x128xi32, #tpu.memory_space<vmem>> -> memref<1x128xi32, #tpu.memory_space<vmem>>
    %dma_start3A_45 = tpu.memref_squeeze %dma_start3A_44 : memref<1x128xi32, #tpu.memory_space<vmem>> -> memref<128xi32, #tpu.memory_space<vmem>>
    %dma_start3A_46 = arith.constant 0 : i32
    %dma_start3A_47 = arith.constant 0 : i32
    %dma_start3A_48 = tpu.memref_slice %arg4[%dma_start3A_46, %dma_start3A_47] : memref<40501x128xf32, #tpu.memory_space<hbm>> -> memref<40501x128xf32, #tpu.memory_space<hbm>>
    tpu.enqueue_indirect_dma source(%dma_start3A_48 : memref<40501x128xf32, #tpu.memory_space<hbm>>) target(%dma_start3A_42 : memref<128x128xf32, #tpu.memory_space<vmem>>) offsets(%dma_start3A_45 : memref<128xi32, #tpu.memory_space<vmem>>) semaphore(%arg16 : memref<!tpu.dma_semaphore, #tpu.memory_space<semaphore_mem>>)
    %scan3A_49 = arith.constant 0 : i32
    %scan3A_50 = arith.constant 0 : i32
    %scan3A_51 = arith.constant 60 : i32
    %scan3A_52 = arith.addi %scan3A_50, %scan3A_51 : i32
    %scan3A_53 = arith.constant 1 : i32
    %scan3A_54 = scf.for %scan3A_84 = %scan3A_50 to %scan3A_52 step %scan3A_53 iter_args(%scan3A_85 = %scan3A_49) -> (i32)  : i32 {
      %rem3A = arith.constant 2 : i32
      %rem3A_86 = arith.remsi %scan3A_84, %rem3A : i32
      %lt3A = arith.constant 59 : i32
      %lt3A_87 = arith.cmpi slt, %scan3A_84, %lt3A : i32
      %convert_element_type3A = arith.extui %lt3A_87 : i1 to i32
      %cond3A = arith.constant 0 : i32
      %cond3A_88 = arith.cmpi ne, %convert_element_type3A, %cond3A : i32
      scf.if %cond3A_88 {
        %add3A_102 = arith.constant 1 : i32
        %add3A_103 = arith.addi %scan3A_84, %add3A_102 : i32
        %sub3A = arith.constant 1 : i32
        %sub3A_104 = arith.subi %sub3A, %rem3A_86 : i32
        %dma_start3A_105 = arith.constant 0 : i32
        %dma_start3A_106 = arith.constant 0 : i32
        %dma_start3A_107 = tpu.memref_slice %arg15[%sub3A_104, %dma_start3A_105, %dma_start3A_106] : memref<2x128x128xf32, #tpu.memory_space<vmem>> -> memref<1x128x128xf32, #tpu.memory_space<vmem>>
        %dma_start3A_108 = tpu.memref_squeeze %dma_start3A_107 : memref<1x128x128xf32, #tpu.memory_space<vmem>> -> memref<128x128xf32, #tpu.memory_space<vmem>>
        %dma_start3A_109 = arith.constant 0 : i32
        %dma_start3A_110 = tpu.memref_slice %arg12[%add3A_103, %dma_start3A_109] : memref<60x128xi32, #tpu.memory_space<vmem>> -> memref<1x128xi32, #tpu.memory_space<vmem>>
        %dma_start3A_111 = tpu.memref_squeeze %dma_start3A_110 : memref<1x128xi32, #tpu.memory_space<vmem>> -> memref<128xi32, #tpu.memory_space<vmem>>
        %dma_start3A_112 = arith.constant 0 : i32
        %dma_start3A_113 = arith.constant 0 : i32
        %dma_start3A_114 = tpu.memref_slice %arg4[%dma_start3A_112, %dma_start3A_113] : memref<40501x128xf32, #tpu.memory_space<hbm>> -> memref<40501x128xf32, #tpu.memory_space<hbm>>
        tpu.enqueue_indirect_dma source(%dma_start3A_114 : memref<40501x128xf32, #tpu.memory_space<hbm>>) target(%dma_start3A_108 : memref<128x128xf32, #tpu.memory_space<vmem>>) offsets(%dma_start3A_111 : memref<128xi32, #tpu.memory_space<vmem>>) semaphore(%arg16 : memref<!tpu.dma_semaphore, #tpu.memory_space<semaphore_mem>>)
      } else {
      }
      %dma_wait3A = arith.constant 0 : i32
      %dma_wait3A_89 = arith.constant 0 : i32
      %dma_wait3A_90 = tpu.memref_slice %arg15[%rem3A_86, %dma_wait3A, %dma_wait3A_89] : memref<2x128x128xf32, #tpu.memory_space<vmem>> -> memref<1x128x128xf32, #tpu.memory_space<vmem>>
      %dma_wait3A_91 = tpu.memref_squeeze %dma_wait3A_90 : memref<1x128x128xf32, #tpu.memory_space<vmem>> -> memref<128x128xf32, #tpu.memory_space<vmem>>
      %dma_wait3A_92 = arith.constant 0 : i32
      %dma_wait3A_93 = tpu.memref_slice %arg12[%scan3A_84, %dma_wait3A_92] : memref<60x128xi32, #tpu.memory_space<vmem>> -> memref<1x128xi32, #tpu.memory_space<vmem>>
      %dma_wait3A_94 = tpu.memref_squeeze %dma_wait3A_93 : memref<1x128xi32, #tpu.memory_space<vmem>> -> memref<128xi32, #tpu.memory_space<vmem>>
      %dma_wait3A_95 = arith.constant 0 : i32
      %dma_wait3A_96 = arith.constant 0 : i32
      %dma_wait3A_97 = tpu.memref_slice %arg4[%dma_wait3A_95, %dma_wait3A_96] : memref<40501x128xf32, #tpu.memory_space<hbm>> -> memref<40501x128xf32, #tpu.memory_space<hbm>>
      tpu.wait_indirect_dma semaphore(%arg16 : memref<!tpu.dma_semaphore, #tpu.memory_space<semaphore_mem>>) src(%dma_wait3A_97 : memref<40501x128xf32, #tpu.memory_space<hbm>>) dst(%dma_wait3A_91 : memref<128x128xf32, #tpu.memory_space<vmem>>)
      %mul3A_98 = arith.constant 128 : i32
      %mul3A_99 = arith.muli %scan3A_84, %mul3A_98 : i32
      %add3A_100 = arith.addi %mul3A_36, %mul3A_99 : i32
      "tpu.region"() ({
        %run_scoped3A = tpu.sem_alloc : memref<!tpu.dma_semaphore, #tpu.memory_space<semaphore_mem>>
        %dma_start3A_102 = arith.constant 0 : i32
        %dma_start3A_103 = arith.constant 0 : i32
        %dma_start3A_104 = tpu.memref_slice %arg15[%rem3A_86, %dma_start3A_102, %dma_start3A_103] : memref<2x128x128xf32, #tpu.memory_space<vmem>> -> memref<1x128x128xf32, #tpu.memory_space<vmem>>
        %dma_start3A_105 = tpu.memref_squeeze %dma_start3A_104 : memref<1x128x128xf32, #tpu.memory_space<vmem>> -> memref<128x128xf32, #tpu.memory_space<vmem>>
        %dma_start3A_106 = arith.constant 0 : i32
        %dma_start3A_107 = tpu.memref_slice %arg8[%add3A_100, %dma_start3A_106] : memref<245760x128xf32, #tpu.memory_space<hbm>> -> memref<128x128xf32, #tpu.memory_space<hbm>>
        %dma_start3A_108 = arith.constant 0 : i32
        %dma_start3A_109 = tpu.memref_slice %arg8[%add3A_100, %dma_start3A_108] : memref<245760x128xf32, #tpu.memory_space<hbm>> -> memref<128x128xf32, #tpu.memory_space<hbm>>
        %dma_start3A_110 = arith.constant 0 : i32
        %dma_start3A_111 = arith.constant 0 : i32
        %dma_start3A_112 = tpu.memref_slice %arg15[%rem3A_86, %dma_start3A_110, %dma_start3A_111] : memref<2x128x128xf32, #tpu.memory_space<vmem>> -> memref<1x128x128xf32, #tpu.memory_space<vmem>>
        %dma_start3A_113 = tpu.memref_squeeze %dma_start3A_112 : memref<1x128x128xf32, #tpu.memory_space<vmem>> -> memref<128x128xf32, #tpu.memory_space<vmem>>
        tpu.enqueue_dma source(%dma_start3A_113 : memref<128x128xf32, #tpu.memory_space<vmem>>) target(%dma_start3A_109 : memref<128x128xf32, #tpu.memory_space<hbm>>) target_semaphore(%run_scoped3A : memref<!tpu.dma_semaphore, #tpu.memory_space<semaphore_mem>>)
        %dma_wait3A_114 = arith.constant 0 : i32
        %dma_wait3A_115 = arith.constant 0 : i32
        %dma_wait3A_116 = tpu.memref_slice %arg15[%rem3A_86, %dma_wait3A_114, %dma_wait3A_115] : memref<2x128x128xf32, #tpu.memory_space<vmem>> -> memref<1x128x128xf32, #tpu.memory_space<vmem>>
        %dma_wait3A_117 = tpu.memref_squeeze %dma_wait3A_116 : memref<1x128x128xf32, #tpu.memory_space<vmem>> -> memref<128x128xf32, #tpu.memory_space<vmem>>
        %dma_wait3A_118 = arith.constant 0 : i32
        %dma_wait3A_119 = tpu.memref_slice %arg8[%add3A_100, %dma_wait3A_118] : memref<245760x128xf32, #tpu.memory_space<hbm>> -> memref<128x128xf32, #tpu.memory_space<hbm>>
        %dma_wait3A_120 = arith.constant 0 : i32
        %dma_wait3A_121 = tpu.memref_slice %arg8[%add3A_100, %dma_wait3A_120] : memref<245760x128xf32, #tpu.memory_space<hbm>> -> memref<128x128xf32, #tpu.memory_space<hbm>>
        %dma_wait3A_122 = arith.constant 0 : i32
        %dma_wait3A_123 = arith.constant 0 : i32
        %dma_wait3A_124 = tpu.memref_slice %arg15[%rem3A_86, %dma_wait3A_122, %dma_wait3A_123] : memref<2x128x128xf32, #tpu.memory_space<vmem>> -> memref<1x128x128xf32, #tpu.memory_space<vmem>>
        %dma_wait3A_125 = tpu.memref_squeeze %dma_wait3A_124 : memref<1x128x128xf32, #tpu.memory_space<vmem>> -> memref<128x128xf32, #tpu.memory_space<vmem>>
        tpu.wait_dma2 semaphore(%run_scoped3A : memref<!tpu.dma_semaphore, #tpu.memory_space<semaphore_mem>>) src(%dma_wait3A_125 : memref<128x128xf32, #tpu.memory_space<vmem>>) dst(%dma_wait3A_121 : memref<128x128xf32, #tpu.memory_space<hbm>>)
        tpu.yield
      }) : () -> ()
      %scan3A_101 = arith.constant 0 : i32
      scf.yield %scan3A_101 : i32
    }
    %scan3A_55 = arith.constant 60 : i32
    %mul3A_56 = arith.constant 3200 : i32
    %mul3A_57 = arith.muli %add3A, %mul3A_56 : i32
    %scan3A_58 = arith.constant 0 : i32
    %scan3A_59 = arith.constant 0 : i32
    %scan3A_60 = arith.constant 25 : i32
    %scan3A_61 = arith.addi %scan3A_59, %scan3A_60 : i32
    %scan3A_62 = arith.constant 1 : i32
    %scan3A_63 = scf.for %scan3A_84 = %scan3A_59 to %scan3A_61 step %scan3A_62 iter_args(%scan3A_85 = %scan3A_58) -> (i32)  : i32 {
      %mul3A_86 = arith.constant 128 : i32
      %mul3A_87 = arith.muli %scan3A_84, %mul3A_86 : i32
      %add3A_88 = arith.addi %mul3A_57, %mul3A_87 : i32
      "tpu.region"() ({
        %run_scoped3A = tpu.sem_alloc : memref<!tpu.dma_semaphore, #tpu.memory_space<semaphore_mem>>
        %dma_start3A_90 = arith.constant 0 : i32
        %dma_start3A_91 = tpu.memref_slice %arg14[%scan3A_84, %dma_start3A_90] : memref<25x128xi32, #tpu.memory_space<vmem>> -> memref<1x128xi32, #tpu.memory_space<vmem>>
        %dma_start3A_92 = tpu.memref_squeeze %dma_start3A_91 : memref<1x128xi32, #tpu.memory_space<vmem>> -> memref<128xi32, #tpu.memory_space<vmem>>
        %dma_start3A_93 = tpu.memref_slice %arg6[%add3A_88] : memref<102400xi32, #tpu.memory_space<hbm>> -> memref<128xi32, #tpu.memory_space<hbm>>
        %dma_start3A_94 = arith.constant 0 : i32
        %dma_start3A_95 = tpu.memref_slice %arg14[%scan3A_84, %dma_start3A_94] : memref<25x128xi32, #tpu.memory_space<vmem>> -> memref<1x128xi32, #tpu.memory_space<vmem>>
        %dma_start3A_96 = tpu.memref_squeeze %dma_start3A_95 : memref<1x128xi32, #tpu.memory_space<vmem>> -> memref<128xi32, #tpu.memory_space<vmem>>
        %dma_start3A_97 = tpu.memref_slice %arg6[%add3A_88] : memref<102400xi32, #tpu.memory_space<hbm>> -> memref<128xi32, #tpu.memory_space<hbm>>
        tpu.enqueue_dma source(%dma_start3A_97 : memref<128xi32, #tpu.memory_space<hbm>>) target(%dma_start3A_96 : memref<128xi32, #tpu.memory_space<vmem>>) target_semaphore(%run_scoped3A : memref<!tpu.dma_semaphore, #tpu.memory_space<semaphore_mem>>)
        %dma_wait3A = arith.constant 0 : i32
        %dma_wait3A_98 = tpu.memref_slice %arg14[%scan3A_84, %dma_wait3A] : memref<25x128xi32, #tpu.memory_space<vmem>> -> memref<1x128xi32, #tpu.memory_space<vmem>>
        %dma_wait3A_99 = tpu.memref_squeeze %dma_wait3A_98 : memref<1x128xi32, #tpu.memory_space<vmem>> -> memref<128xi32, #tpu.memory_space<vmem>>
        %dma_wait3A_100 = tpu.memref_slice %arg6[%add3A_88] : memref<102400xi32, #tpu.memory_space<hbm>> -> memref<128xi32, #tpu.memory_space<hbm>>
        %dma_wait3A_101 = arith.constant 0 : i32
        %dma_wait3A_102 = tpu.memref_slice %arg14[%scan3A_84, %dma_wait3A_101] : memref<25x128xi32, #tpu.memory_space<vmem>> -> memref<1x128xi32, #tpu.memory_space<vmem>>
        %dma_wait3A_103 = tpu.memref_squeeze %dma_wait3A_102 : memref<1x128xi32, #tpu.memory_space<vmem>> -> memref<128xi32, #tpu.memory_space<vmem>>
        %dma_wait3A_104 = tpu.memref_slice %arg6[%add3A_88] : memref<102400xi32, #tpu.memory_space<hbm>> -> memref<128xi32, #tpu.memory_space<hbm>>
        tpu.wait_dma2 semaphore(%run_scoped3A : memref<!tpu.dma_semaphore, #tpu.memory_space<semaphore_mem>>) src(%dma_wait3A_104 : memref<128xi32, #tpu.memory_space<hbm>>) dst(%dma_wait3A_103 : memref<128xi32, #tpu.memory_space<vmem>>)
        tpu.yield
      }) : () -> ()
      %scan3A_89 = arith.constant 0 : i32
      scf.yield %scan3A_89 : i32
    }
    %scan3A_64 = arith.constant 25 : i32
    %dma_start3A_65 = arith.constant 0 : i32
    %dma_start3A_66 = arith.constant 0 : i32
    %dma_start3A_67 = arith.constant 0 : i32
    %dma_start3A_68 = arith.constant 0 : i32
    %dma_start3A_69 = tpu.memref_slice %arg15[%dma_start3A_66, %dma_start3A_67, %dma_start3A_68] : memref<2x128x128xf32, #tpu.memory_space<vmem>> -> memref<1x128x128xf32, #tpu.memory_space<vmem>>
    %dma_start3A_70 = tpu.memref_squeeze %dma_start3A_69 : memref<1x128x128xf32, #tpu.memory_space<vmem>> -> memref<128x128xf32, #tpu.memory_space<vmem>>
    %dma_start3A_71 = arith.constant 0 : i32
    %dma_start3A_72 = tpu.memref_slice %arg14[%dma_start3A_65, %dma_start3A_71] : memref<25x128xi32, #tpu.memory_space<vmem>> -> memref<1x128xi32, #tpu.memory_space<vmem>>
    %dma_start3A_73 = tpu.memref_squeeze %dma_start3A_72 : memref<1x128xi32, #tpu.memory_space<vmem>> -> memref<128xi32, #tpu.memory_space<vmem>>
    %dma_start3A_74 = arith.constant 0 : i32
    %dma_start3A_75 = arith.constant 0 : i32
    %dma_start3A_76 = tpu.memref_slice %arg4[%dma_start3A_74, %dma_start3A_75] : memref<40501x128xf32, #tpu.memory_space<hbm>> -> memref<40501x128xf32, #tpu.memory_space<hbm>>
    tpu.enqueue_indirect_dma source(%dma_start3A_76 : memref<40501x128xf32, #tpu.memory_space<hbm>>) target(%dma_start3A_70 : memref<128x128xf32, #tpu.memory_space<vmem>>) offsets(%dma_start3A_73 : memref<128xi32, #tpu.memory_space<vmem>>) semaphore(%arg16 : memref<!tpu.dma_semaphore, #tpu.memory_space<semaphore_mem>>)
    %scan3A_77 = arith.constant 0 : i32
    %scan3A_78 = arith.constant 0 : i32
    %scan3A_79 = arith.constant 25 : i32
    %scan3A_80 = arith.addi %scan3A_78, %scan3A_79 : i32
    %scan3A_81 = arith.constant 1 : i32
    %scan3A_82 = scf.for %scan3A_84 = %scan3A_78 to %scan3A_80 step %scan3A_81 iter_args(%scan3A_85 = %scan3A_77) -> (i32)  : i32 {
      %rem3A = arith.constant 2 : i32
      %rem3A_86 = arith.remsi %scan3A_84, %rem3A : i32
      %lt3A = arith.constant 24 : i32
      %lt3A_87 = arith.cmpi slt, %scan3A_84, %lt3A : i32
      %convert_element_type3A = arith.extui %lt3A_87 : i1 to i32
      %cond3A = arith.constant 0 : i32
      %cond3A_88 = arith.cmpi ne, %convert_element_type3A, %cond3A : i32
      scf.if %cond3A_88 {
        %add3A_102 = arith.constant 1 : i32
        %add3A_103 = arith.addi %scan3A_84, %add3A_102 : i32
        %sub3A = arith.constant 1 : i32
        %sub3A_104 = arith.subi %sub3A, %rem3A_86 : i32
        %dma_start3A_105 = arith.constant 0 : i32
        %dma_start3A_106 = arith.constant 0 : i32
        %dma_start3A_107 = tpu.memref_slice %arg15[%sub3A_104, %dma_start3A_105, %dma_start3A_106] : memref<2x128x128xf32, #tpu.memory_space<vmem>> -> memref<1x128x128xf32, #tpu.memory_space<vmem>>
        %dma_start3A_108 = tpu.memref_squeeze %dma_start3A_107 : memref<1x128x128xf32, #tpu.memory_space<vmem>> -> memref<128x128xf32, #tpu.memory_space<vmem>>
        %dma_start3A_109 = arith.constant 0 : i32
        %dma_start3A_110 = tpu.memref_slice %arg14[%add3A_103, %dma_start3A_109] : memref<25x128xi32, #tpu.memory_space<vmem>> -> memref<1x128xi32, #tpu.memory_space<vmem>>
        %dma_start3A_111 = tpu.memref_squeeze %dma_start3A_110 : memref<1x128xi32, #tpu.memory_space<vmem>> -> memref<128xi32, #tpu.memory_space<vmem>>
        %dma_start3A_112 = arith.constant 0 : i32
        %dma_start3A_113 = arith.constant 0 : i32
        %dma_start3A_114 = tpu.memref_slice %arg4[%dma_start3A_112, %dma_start3A_113] : memref<40501x128xf32, #tpu.memory_space<hbm>> -> memref<40501x128xf32, #tpu.memory_space<hbm>>
        tpu.enqueue_indirect_dma source(%dma_start3A_114 : memref<40501x128xf32, #tpu.memory_space<hbm>>) target(%dma_start3A_108 : memref<128x128xf32, #tpu.memory_space<vmem>>) offsets(%dma_start3A_111 : memref<128xi32, #tpu.memory_space<vmem>>) semaphore(%arg16 : memref<!tpu.dma_semaphore, #tpu.memory_space<semaphore_mem>>)
      } else {
      }
      %dma_wait3A = arith.constant 0 : i32
      %dma_wait3A_89 = arith.constant 0 : i32
      %dma_wait3A_90 = tpu.memref_slice %arg15[%rem3A_86, %dma_wait3A, %dma_wait3A_89] : memref<2x128x128xf32, #tpu.memory_space<vmem>> -> memref<1x128x128xf32, #tpu.memory_space<vmem>>
      %dma_wait3A_91 = tpu.memref_squeeze %dma_wait3A_90 : memref<1x128x128xf32, #tpu.memory_space<vmem>> -> memref<128x128xf32, #tpu.memory_space<vmem>>
      %dma_wait3A_92 = arith.constant 0 : i32
      %dma_wait3A_93 = tpu.memref_slice %arg14[%scan3A_84, %dma_wait3A_92] : memref<25x128xi32, #tpu.memory_space<vmem>> -> memref<1x128xi32, #tpu.memory_space<vmem>>
      %dma_wait3A_94 = tpu.memref_squeeze %dma_wait3A_93 : memref<1x128xi32, #tpu.memory_space<vmem>> -> memref<128xi32, #tpu.memory_space<vmem>>
      %dma_wait3A_95 = arith.constant 0 : i32
      %dma_wait3A_96 = arith.constant 0 : i32
      %dma_wait3A_97 = tpu.memref_slice %arg4[%dma_wait3A_95, %dma_wait3A_96] : memref<40501x128xf32, #tpu.memory_space<hbm>> -> memref<40501x128xf32, #tpu.memory_space<hbm>>
      tpu.wait_indirect_dma semaphore(%arg16 : memref<!tpu.dma_semaphore, #tpu.memory_space<semaphore_mem>>) src(%dma_wait3A_97 : memref<40501x128xf32, #tpu.memory_space<hbm>>) dst(%dma_wait3A_91 : memref<128x128xf32, #tpu.memory_space<vmem>>)
      %mul3A_98 = arith.constant 128 : i32
      %mul3A_99 = arith.muli %scan3A_84, %mul3A_98 : i32
      %add3A_100 = arith.addi %mul3A_57, %mul3A_99 : i32
      "tpu.region"() ({
        %run_scoped3A = tpu.sem_alloc : memref<!tpu.dma_semaphore, #tpu.memory_space<semaphore_mem>>
        %dma_start3A_102 = arith.constant 0 : i32
        %dma_start3A_103 = arith.constant 0 : i32
        %dma_start3A_104 = tpu.memref_slice %arg15[%rem3A_86, %dma_start3A_102, %dma_start3A_103] : memref<2x128x128xf32, #tpu.memory_space<vmem>> -> memref<1x128x128xf32, #tpu.memory_space<vmem>>
        %dma_start3A_105 = tpu.memref_squeeze %dma_start3A_104 : memref<1x128x128xf32, #tpu.memory_space<vmem>> -> memref<128x128xf32, #tpu.memory_space<vmem>>
        %dma_start3A_106 = arith.constant 0 : i32
        %dma_start3A_107 = tpu.memref_slice %arg9[%add3A_100, %dma_start3A_106] : memref<102400x128xf32, #tpu.memory_space<hbm>> -> memref<128x128xf32, #tpu.memory_space<hbm>>
        %dma_start3A_108 = arith.constant 0 : i32
        %dma_start3A_109 = tpu.memref_slice %arg9[%add3A_100, %dma_start3A_108] : memref<102400x128xf32, #tpu.memory_space<hbm>> -> memref<128x128xf32, #tpu.memory_space<hbm>>
        %dma_start3A_110 = arith.constant 0 : i32
        %dma_start3A_111 = arith.constant 0 : i32
        %dma_start3A_112 = tpu.memref_slice %arg15[%rem3A_86, %dma_start3A_110, %dma_start3A_111] : memref<2x128x128xf32, #tpu.memory_space<vmem>> -> memref<1x128x128xf32, #tpu.memory_space<vmem>>
        %dma_start3A_113 = tpu.memref_squeeze %dma_start3A_112 : memref<1x128x128xf32, #tpu.memory_space<vmem>> -> memref<128x128xf32, #tpu.memory_space<vmem>>
        tpu.enqueue_dma source(%dma_start3A_113 : memref<128x128xf32, #tpu.memory_space<vmem>>) target(%dma_start3A_109 : memref<128x128xf32, #tpu.memory_space<hbm>>) target_semaphore(%run_scoped3A : memref<!tpu.dma_semaphore, #tpu.memory_space<semaphore_mem>>)
        %dma_wait3A_114 = arith.constant 0 : i32
        %dma_wait3A_115 = arith.constant 0 : i32
        %dma_wait3A_116 = tpu.memref_slice %arg15[%rem3A_86, %dma_wait3A_114, %dma_wait3A_115] : memref<2x128x128xf32, #tpu.memory_space<vmem>> -> memref<1x128x128xf32, #tpu.memory_space<vmem>>
        %dma_wait3A_117 = tpu.memref_squeeze %dma_wait3A_116 : memref<1x128x128xf32, #tpu.memory_space<vmem>> -> memref<128x128xf32, #tpu.memory_space<vmem>>
        %dma_wait3A_118 = arith.constant 0 : i32
        %dma_wait3A_119 = tpu.memref_slice %arg9[%add3A_100, %dma_wait3A_118] : memref<102400x128xf32, #tpu.memory_space<hbm>> -> memref<128x128xf32, #tpu.memory_space<hbm>>
        %dma_wait3A_120 = arith.constant 0 : i32
        %dma_wait3A_121 = tpu.memref_slice %arg9[%add3A_100, %dma_wait3A_120] : memref<102400x128xf32, #tpu.memory_space<hbm>> -> memref<128x128xf32, #tpu.memory_space<hbm>>
        %dma_wait3A_122 = arith.constant 0 : i32
        %dma_wait3A_123 = arith.constant 0 : i32
        %dma_wait3A_124 = tpu.memref_slice %arg15[%rem3A_86, %dma_wait3A_122, %dma_wait3A_123] : memref<2x128x128xf32, #tpu.memory_space<vmem>> -> memref<1x128x128xf32, #tpu.memory_space<vmem>>
        %dma_wait3A_125 = tpu.memref_squeeze %dma_wait3A_124 : memref<1x128x128xf32, #tpu.memory_space<vmem>> -> memref<128x128xf32, #tpu.memory_space<vmem>>
        tpu.wait_dma2 semaphore(%run_scoped3A : memref<!tpu.dma_semaphore, #tpu.memory_space<semaphore_mem>>) src(%dma_wait3A_125 : memref<128x128xf32, #tpu.memory_space<vmem>>) dst(%dma_wait3A_121 : memref<128x128xf32, #tpu.memory_space<hbm>>)
        tpu.yield
      }) : () -> ()
      %scan3A_101 = arith.constant 0 : i32
      scf.yield %scan3A_101 : i32
    }
    %scan3A_83 = arith.constant 25 : i32
    return
  }
}

</mosaic_0001>

<sc_bundles>
// kernel: _sc_gather.3.cloned.1.call-start
scs
__scs_entry_jumppad:
0x0: {  	(pc) =	sbr.rel $0x88, $3  }
0x1: {  	(tag) =	ssettag $0x0;
	lr =	simm.s32 $0x1  }
0x2: {  	[smem:$0x3F9C] =	sst lr;
	_ =	strace $0xD0000000  }
0x3: {  	_ = 	snop  }
0x4: {  	_ = 	snop  }
0x5: {  	_ = 	snop  }
0x6: {  	_ = 	snop  }
0x7: {  	_ = 	snop  }
__scs_overlays_trampoline_lowered:
0x8: {  	[smem:$0x3FAB] =	sst s0  }
0x9: {  	[smem:$0x3FAC] =	sst s1  }
0xa: {  	[smem:$0x3FAD] =	sst s2  }
0xb: {  	[smem:$0x3FAE] =	sst s3  }
0xc: {  	[smem:$0x3FAF] =	sst s4  }
0xd: {  	[smem:$0x3FB0] =	sst s5  }
0xe: {  	[smem:$0x3FB1] =	sst s6  }
0xf: {  	[smem:$0x3FB2] =	sst s7  }
0x10: {  	[smem:$0x3FB3] =	sst s8  }
0x11: {  	[smem:$0x3FB4] =	sst s9;
	s0 =	simm.s32 @!p0 $0x0  }
0x12: {  	s1 =	sld [smem:$0x3F9A];
	s0 =	simm.s32 @p0 $0x1  }
0x13: {  	[smem:$0x3FB5] =	sst s0;
	s0 =	simm.s32 @!p1 $0x0  }
0x14: {  	s2 =	sld [smem:$0x3F99];
	s0 =	simm.s32 @p1 $0x1  }
0x15: {  	[smem:$0x3FB6] =	sst s0;
	s0 =	simm.s32 @!p2 $0x0  }
0x16: {  	s3 =	sld [smem:$0x3FDB];
	s0 =	simm.s32 @p2 $0x1  }
0x17: {  	s4 =	simm.s32 $0x1BF5;
	[smem:$0x3FB8] =	sst s0  }
0x18: {  	s0 =	sld [smem:$0x3F9B];
	_ =	swait.ge [sflag:s4], $0x0  }
0x19: {  	s7 =	sld [smem:$0x3F9C]  }
0x1a: {  	s8 =	sadd.s32 $0xFFFFE003, lr  }
0x1b: {  	s9 =	sadd.s32 $0xFFFFFEF7, lr;
	s5 =	simm.s32 $0xFFFFFFFF;
	p2 =	slt.u32 s8, $0xFFFFF086  }
0x1c: {  	p1 =	slt.u32 s9, $0xF7A;
	s5 =	simm.s32 @!p2 $0x0  }
0x1d: {  	s5 =	simm.s32 @p1 $0x1;
	p0 =	seq.s32 s7, s2  }
0x1e: {  	s7 =	smul.u32 @!p0 $0xF7A, s2;
	p2 =	seq.s32 @!p0 s5, $0x0  }
0x1f: {  	s9 =	smul.u32 $0xF7A, s1;
	s8 =	simm.s32 @!p0 $0x1BF5;
	p2 =	por !p2, p0  }
0x20: {  	[sflag:s8] =	ssyncset.s32 @!p0 $0xFFFFF086;
	s6 =	sadd.s32 @!p0 s3, s7;
	s7 =	simm.s32 @!p0 $0x108  }
0x21: {  	s3 =	sadd.s32 s3, s9;
	s6 =	sadd.s32 @!p0 $0x88, s6;
	s7 =	simm.s32 @p2 $0x1082  }
0x22: {  	[simem:s7], [sflag:s8] =	dma.local @!p0 [hbm:s6], $0xF7A  }
0x23: {  	s9 =	sor.u32 $0xD0000000, s2;
	s6 =	simm.s32 $0x108;
	_ =	swait.ge @!p0 [sflag:s8], $0x0  }
0x24: {  	s3 =	sadd.s32 $0x88, s3;
	s6 =	simm.s32 @!p1 $0x1082;
	[sflag:s4] =	ssyncset.s32 $0xFFFFF086  }
0x25: {  	[simem:s6], [sflag:s4] =	dma.local [hbm:s3], $0xF7A  }
0x26: {  	[smem:$0x3F9C] =	sst s1;
	(tag) =	ssettag s2;
	_ =	strace s9  }
0x27: {  	s1 =	sld [smem:$0x3FAC]  }
0x28: {  	s2 =	sld [smem:$0x3FAD]  }
0x29: {  	s4 =	sld [smem:$0x3FAF]  }
0x2a: {  	p0 =	seq.s32 s5, $0x0;
	s5 =	sld [smem:$0x3FB0]  }
0x2b: {  	s6 =	sld [smem:$0x3FB1]  }
0x2c: {  	s7 =	sld [smem:$0x3FB2]  }
0x2d: {  	s3 =	simm.s32 $0x108;
	s8 =	sld [smem:$0x3FB3]  }
0x2e: {  	s3 =	simm.s32 @!p0 $0x1082;
	s9 =	sld [smem:$0x3FB4]  }
0x2f: {  	lr =	sadd.s32 s0, s3;
	s0 =	sld [smem:$0x3FAB]  }
0x30: {  	s3 =	sld [smem:$0x3FAE]  }
0x31: {  	[smem:$0x3FB7] =	sst s10  }
0x32: {  	s10 =	sld [smem:$0x3FB5];
	_ =	sdelay $0x3  }
0x33: {  	p0 =	seq.s32 s10, $0x1;
	s10 =	sld [smem:$0x3FB7];
	_ =	sdelay $0x3  }
0x34: {  	[smem:$0x3FB7] =	sst s10  }
0x35: {  	s10 =	sld [smem:$0x3FB6];
	_ =	sdelay $0x3  }
0x36: {  	p1 =	seq.s32 s10, $0x1;
	s10 =	sld [smem:$0x3FB7];
	_ =	sdelay $0x3  }
0x37: {  	[smem:$0x3FB7] =	sst s10  }
0x38: {  	s10 =	sld [smem:$0x3FB8]  }
0x39: {  	_ = 	snop;
	(pc) =	sbr.ind lr, $3  }
0x3a: {  	_ = 	snop  }
0x3b: {  	_ = 	snop  }
0x3c: {  	p2 =	seq.s32 s10, $0x1;
	s10 =	sld [smem:$0x3FB7]  }
0x3d: {  	_ =	shalt  }
0x3e: {  	_ =	shalt  }
0x3f: {  	_ =	shalt  }
0x40: {  	_ =	shalt  }
0x41: {  	_ =	shalt  }
0x42: {  	_ =	shalt  }
0x43: {  	_ =	shalt  }
0x44: {  	_ =	shalt  }
0x45: {  	_ =	shalt  }
0x46: {  	_ =	shalt  }
0x47: {  	_ =	shalt  }
0x48: {  	_ =	shalt  }
0x49: {  	_ =	shalt  }
0x4a: {  	_ =	shalt  }
0x4b: {  	_ =	shalt  }
0x4c: {  	_ =	shalt  }
0x4d: {  	_ =	shalt  }
0x4e: {  	_ =	shalt  }
0x4f: {  	_ =	shalt  }
0x50: {  	_ =	shalt  }
0x51: {  	_ =	shalt  }
0x52: {  	_ =	shalt  }
0x53: {  	_ =	shalt  }
0x54: {  	_ =	shalt  }
0x55: {  	_ =	shalt  }
0x56: {  	_ =	shalt  }
0x57: {  	_ =	shalt  }
0x58: {  	_ =	shalt  }
0x59: {  	_ =	shalt  }
0x5a: {  	_ =	shalt  }
0x5b: {  	_ =	shalt  }
0x5c: {  	_ =	shalt  }
0x5d: {  	_ =	shalt  }
0x5e: {  	_ =	shalt  }
0x5f: {  	_ =	shalt  }
0x60: {  	_ =	shalt  }
0x61: {  	_ =	shalt  }
0x62: {  	_ =	shalt  }
0x63: {  	_ =	shalt  }
0x64: {  	_ =	shalt  }
0x65: {  	_ =	shalt  }
0x66: {  	_ =	shalt  }
0x67: {  	_ =	shalt  }
0x68: {  	_ =	shalt  }
0x69: {  	_ =	shalt  }
0x6a: {  	_ =	shalt  }
0x6b: {  	_ =	shalt  }
0x6c: {  	_ =	shalt  }
0x6d: {  	_ =	shalt  }
0x6e: {  	_ =	shalt  }
0x6f: {  	_ =	shalt  }
0x70: {  	_ =	shalt  }
0x71: {  	_ =	shalt  }
0x72: {  	_ =	shalt  }
0x73: {  	_ =	shalt  }
0x74: {  	_ =	shalt  }
0x75: {  	_ =	shalt  }
0x76: {  	_ =	shalt  }
0x77: {  	_ =	shalt  }
0x78: {  	_ =	shalt  }
0x79: {  	_ =	shalt  }
0x7a: {  	_ =	shalt  }
0x7b: {  	_ =	shalt  }
0x7c: {  	_ =	shalt  }
0x7d: {  	_ =	shalt  }
0x7e: {  	_ =	shalt  }
0x7f: {  	_ =	shalt  }
0x80: {  	_ =	shalt  }
0x81: {  	_ =	shalt  }
0x82: {  	_ =	shalt  }
0x83: {  	_ =	shalt  }
0x84: {  	_ =	shalt  }
0x85: {  	_ =	shalt  }
0x86: {  	_ =	shalt  }
0x87: {  	_ =	shalt  }
.Lfunc_end0:
.L_simem_size_0:
called_computation_lowered:
.L_overlay_start_0:
0x88: {  	s2 =	sld [smem:$0x3FD9]  }
0x89: {  	s3 =	sld [smem:$0x3FFE];
	_ =	sdelay $0x1  }
0x8a: {  	s1 =	srdreg.scid  }
0x8b: {  	s0 =	sand.u32 $0x1, s1  }
0x8c: {  	s14 =	sshll.u32 s0, $0xA;
	s2 =	sadd.s32 s3, s2  }
0x8d: {  	s2 =	sadd.s32 s2, s14  }
0x8e: {  	[smem:$0x3FC3] =	sst s2  }
0x8f: {  	_ = 	snop  }
0x90: {  	s2 =	sld [smem:$0x3FC9]  }
0x91: {  	s15 =	sld [smem:$0x3FC8]  }
0x92: {  	s4 =	sld [smem:$0x3FD0]  }
0x93: {  	s5 =	sld [smem:$0x3FC7]  }
0x94: {  	s6 =	sld [smem:$0x3FC6]  }
0x95: {  	s8 =	simm.s32 $0xA;
	s9 =	simm.s32 $0x10;
	s7 =	sld [smem:$0x3FC5]  }
0x96: {  	[smem:s9], [sflag:s8] =	dma.local [hbm:s4], $0x1  }
0x97: {  	_ =	swait.eq [sflag:s8], $0x1  }
0x98: {  	[sflag:s8] =	ssyncset.done $0x0  }
0x99: {  	s16 =	sld [smem:$0x11];
	[sflag:s8] =	ssyncadd.s32 $0xFFFFFFFF  }
0x9a: {  	s17 =	sld [smem:$0x12];
	(tm) =	ssettm $0x1  }
0x9b: {  	s18 =	sld [smem:$0x3FFB];
	_ =	sdelay $0x3  }
0x9c: {  	_ =	strace s18  }
0x9d: {  	s9 =	sld [smem:$0x3FFC];
	_ =	sdelay $0x3  }
0x9e: {  	_ =	strace s9  }
0x9f: {  	s9 =	sld [smem:$0x3FFD];
	_ =	sdelay $0x3  }
0xa0: {  	_ =	strace s9  }
0xa1: {  	_ =	strace $0x8FFFFFFF  }
0xa2: {  	s19 =	sld [smem:$0x3FDB];
	_ =	sdelay $0x1  }
0xa3: {  	s10 =	simm.s32 $_scs_section_size  }
0xa4: {  	s11 =	simm.s32 $_size__tile_overlayer_lowered;
	s12 =	simm.s32 $_tile_overlayer_lowered  }
0xa5: {  	s22 =	simm.s32 $0x1BFF;
	s21 =	sshll.u32 s12, $0x1;
	s9 =	sadd.s32 s10, s19  }
0xa6: {  	s13 =	simm.s32 $0x0;
	s20 =	sshll.u32 s11, $0x1;
	s11 =	sadd.s32 s21, s9  }
0xa7: {  	[timem:s13], [sflag:s22] =	dma.local [hbm:s11], s20  }
0xa8: {  	_ =	swait.ge [sflag:s22], s20  }
0xa9: {  	s10 =	ssub.s32 $0x0, s20;
	[sflag:s22] =	ssyncset.done $0x0  }
0xaa: {  	[sflag:s22] =	ssyncadd.s32 s10;
	_ =	sdelay $0x1  }
0xab: {  	s23 =	simm.s32 $0x1B8B  }
0xac: {  	_ =	swait.ge [sflag:s23], $0x1  }
0xad: {  	[sflag:s23] =	ssyncset.done $0x0  }
0xae: {  	s25 =	simm.s32 $0x1B8E;
	s24 =	sld [smem:$0x3FFE];
	[sflag:s23] =	ssyncadd.s32 $0xFFFFFFFF  }
0xaf: {  	s26 =	simm.s32 $execute0_lowered;
	[smem:$0x3FD2] =	sst s25  }
0xb0: {  	s11 =	sshll.u32 s26, $0x1;
	_ =	strace $0x80000046;
	[dreg:$0x1] =	wrdreg $0xFFFFFFFF  }
0xb1: {  	s28 =	simm.s32 $_size_execute0_lowered;
	s9 =	sadd.s32 s9, s11;
	[dreg:$0x0] =	wrdreg $0x0  }
0xb2: {  	s11 =	sshll.u32 s28, $0x1;
	[dreg:$0x2] =	wrdreg s9  }
0xb3: {  	[dreg:$0x3] =	wrdreg s11  }
0xb4: {  	[dreg:$0x4] =	wrdreg $0xC0  }
0xb5: {  	_ =	task [dreg:s13], $0x5FFFF  }
0xb6: {  	[dreg:$0x1] =	wrdreg $0xFFFFFFFF  }
0xb7: {  	[dreg:$0x0] =	wrdreg $0x60  }
0xb8: {  	[dreg:$0x2] =	wrdreg s2  }
0xb9: {  	[dreg:$0x3] =	wrdreg s15  }
0xba: {  	[dreg:$0x4] =	wrdreg s5  }
0xbb: {  	[dreg:$0x5] =	wrdreg s6  }
0xbc: {  	[dreg:$0x6] =	wrdreg s7  }
0xbd: {  	[dreg:$0x7] =	wrdreg s24  }
0xbe: {  	[dreg:$0x8] =	wrdreg s16  }
0xbf: {  	[dreg:$0x9] =	wrdreg s17  }
0xc0: {  	[dreg:$0xa] =	wrdreg $0x9  }
0xc1: {  	_ =	task.clear_ibuf [dreg:s13], $0xBFFFF;
	_ =	strace $0x90000046  }
0xc2: {  	s29 =	simm.s32 $0x9;
	_ =	strace $0x80000048  }
0xc3: {  	_ =	swait.ge [sflag:s29], $0x1  }
0xc4: {  	[sflag:s29] =	ssyncadd.s32 $0xFFFFFFFF  }
0xc5: {  	_ =	strace $0x90000048  }
0xc6: {  	_ =	sfence  }
0xc7: {  	s30 =	sld [smem:$0x0];
	_ =	sdelay $0x2  }
0xc8: {  	s31 =	sshll.u32 s1, $0xD;
	s1 =	sshrl.u32 s1, $0x2  }
0xc9: {  	s3 =	sand.u32 $0x4000, s31;
	s1 =	sadd.s32 s1, s30  }
0xca: {  	s0 =	sor.u32 s3, s0;
	s1 =	sshll.u32 s1, $0x11  }
0xcb: {  	s0 =	sor.u32 s1, s0  }
0xcc: {  	s0 =	sadd.s32 $0x8F2B, s0  }
0xcd: {  	[sflag:s0] =	ssyncadd.remote.s32 $0x1  }
0xce: {  	_ =	sfence.sel $0xFFFF  }
0xcf: {  	[dreg:$0x0] =	wrdreg $0xFFFFFFFF;
	(pc) =	sbr.abs _section_cstart, $3  }
0xd0: {  	[dreg:$0x1] =	wrdreg $0xFFFFFFFF  }
0xd1: {  	_ =	task.clear_ibuf [dreg:s13], $0x2FFFF;
	_ =	strace $0x9FFFFFFF  }
0xd2: {  	(tm) =	ssettm $0x7FFFFFFF  }
0xd3: {  	_ =	shalt  }
tec
execute0_lowered:
.L_overlay_start_1:
0x0: {  	(tag) =	ssettag $0x1  }
0x1: {  	s0 =	rddreg [dreg:$0x0]  }
0x2: {  	s1 =	rddreg [dreg:$0x1]  }
0x3: {  	s2 =	rddreg [dreg:$0x2]  }
0x4: {  	s6 =	rddreg [dreg:$0x3];
	s3 =	stileid.u32  }
0x5: {  	s12 =	rddreg [dreg:$0x4];
	s18 =	smul.u32 $0x1E0000, s3  }
0x6: {  	s4 =	srdreg.scid;
	s26 =	smul.u32 $0x1900, s3  }
0x7: {  	s7 =	rddreg [dreg:$0x5];
	s10 =	sand.u32 $0x1, s4;
	s19 =	smul.u32 $0xC8000, s3  }
0x8: {  	s11 =	rddreg [dreg:$0x6];
	s25 =	smul.u32 $0xF0000, s10  }
0x9: {  	s13 =	rddreg [dreg:$0x7];
	s23 =	sshll.u32 s3, $0x1;
	s29 =	smul.u32 $0xC80, s10  }
0xa: {  	s5 =	simm.s32 $0x0;
	s8 =	sor.u32 s10, s23;
	s20 =	smul.u32 $0x64000, s10  }
0xb: {  	s21 =	simm.s32 $0x7280;
	[smem:$0x7FF] =	sst s5;
	s9 =	smul.u32 $0x50, s8  }
0xc: {  	s22 =	simm.s32 $0xB280;
	_ =	strace $0x80000047;
	s14 =	smul.u32 $0xF0000, s8  }
0xd: {  	s15 =	ssub.s32 $0x2, s10;
	s16 =	smul.u32 $0x64000, s8;
	s8 =	sshll.u32 s8, $0xA  }
0xe: {  	s23 =	simm.s32 $0x6280;
	s17 =	sshrl.u32 s15, $0x1;
	s7 =	sadd.s32 s8, s7  }
0xf: {  	s24 =	ssub.s32 s15, s17;
	s15 =	sadd.s32 s25, s18;
	s30 =	sadd.s32 s20, s19  }
0x10: {  	s17 =	simm.s32 $0x2280;
	s18 =	simm.s32 $0x4280;
	s19 =	simm.s32 $0x1  }
0x11: {  	s20 =	simm.s32 $0x2;
	s6 =	sadd.s32 s6, s9;
	s7 =	sadd.s32 $0x800, s7  }
0x12: {  	s8 =	smax.u32 s24, $0x1;
	s28 =	sshrl.u32 s14, $0x3;
	s16 =	sshrl.u32 s16, $0x3  }
0x13: {  	s14 =	sadd.s32 s29, s26;
	s15 =	sshrl.u32 s15, $0x3;
	s31 =	sshrl.u32 s30, $0x3  }
0x14: {  	s24 =	simm.s32 $0x0;
	s9 =	sadd.s32 s11, s28;
	s16 =	sadd.s32 s13, s16  }
0x15: {  	s14 =	sshrl.u32 s14, $0x3;
	s11 =	sadd.s32 s15, s11;
	s13 =	sadd.s32 s31, s13  }
0x16: {  	s15 =	simm.s32 $0x80;
	s9 =	sadd.s32 $0x1D800, s9;
	s10 =	sadd.s32 $0xC000, s16  }
0x17: {  	v0 =	vlaneseq.u32;
	v1 =	vimm.s32 $0x0;
	s12 =	sadd.s32 s14, s12;
	s14 =	simm.s32 $0x3;
	s16 =	simm.s32 $0x280  }
.LBB2_1:
0x18: {  	s25 =	simm.s32 $0x0  }
0x19: {  	v2 =	vor.u32 s25, v0  }
0x1a: {  	v3 =	vmulhi.u32 $0xAAAAAAAB, v2;
	_ =	sdelay $0x1  }
0x1b: {  	v3 =	vshrl.u32 v3, $0x3  }
0x1c: {  	v4 =	vmul.u32 $0xFFFFFFF4, v3  }
0x1d: {  	v5 =	vmov s25;
	v6 =	vsub.s32 $0x0, v2  }
0x1e: {  	vm0 =	veq.s32 v5, v0;
	vm1 =	vne.s32 v4, v6  }
0x1f: {  	vm0 =	vmand vm0, vm1  }
0x20: {  	v4 =	vsel vm0, $0xFFFFFFFF, v1  }
0x21: {  	v3 =	vadd.s32 v4, v3  }
0x22: {  	[tilespmem:s5], [sflag:$0x3] =	stream.linear.gather [hbm4b:s6+s5], $0x280, $0x38;
	[tilespmem:$0xF280] =	vst v63  }
0x23: {  	_ =	swait.ge [sflag:s14], $0x280  }
0x24: {  	[sflag:s14] =	ssyncset.done $0x0  }
0x25: {  	[sflag:s14] =	ssyncadd.s32 $0xFFFFFD80  }
0x26: {  	s26 =	simm.s32 $0x10;
	v4 =	vld.idx.msk [tilespmem:v3+s5+$0x0], $0xffff  }
0x27: {  	v5 =	vor.u32 s26, v0  }
0x28: {  	v6 =	vmulhi.u32 $0xAAAAAAAB, v5;
	_ =	sdelay $0x1  }
0x29: {  	v6 =	vshrl.u32 v6, $0x3;
	v3 =	vmul.u32 $0xFFFFFFF4, v3  }
0x2a: {  	v4 =	vmul.u32 $0xC, v4  }
0x2b: {  	v2 =	vadd.s32 v2, v3  }
0x2c: {  	s25 =	simm.s32 $0x2C0;
	v2 =	vadd.s32 v4, v2  }
0x2d: {  	[tilespmem:s25+$0xFFFFFFC0] =	vst v2  }
0x2e: {  	s26 =	simm.s32 $0x20;
	v2 =	vld.idx.msk [tilespmem:v6+s5+$0x0], $0xffff  }
0x2f: {  	v3 =	vor.u32 s26, v0  }
0x30: {  	v4 =	vmulhi.u32 $0xAAAAAAAB, v3;
	_ =	sdelay $0x1  }
0x31: {  	v6 =	vmul.u32 $0xFFFFFFF4, v6;
	v4 =	vshrl.u32 v4, $0x3  }
0x32: {  	v2 =	vmul.u32 $0xC, v2  }
0x33: {  	v5 =	vadd.s32 v5, v6  }
0x34: {  	v2 =	vadd.s32 v2, v5  }
0x35: {  	[tilespmem:s25+$0xFFFFFFD0] =	vst v2  }
0x36: {  	s30 =	simm.s32 $0x30;
	v2 =	vld.idx.msk [tilespmem:v4+s5+$0x0], $0xffff  }
0x37: {  	v5 =	vor.u32 s30, v0  }
0x38: {  	v6 =	vmulhi.u32 $0xAAAAAAAB, v5;
	_ =	sdelay $0x1  }
0x39: {  	v4 =	vmul.u32 $0xFFFFFFF4, v4;
	v6 =	vshrl.u32 v6, $0x3  }
0x3a: {  	v2 =	vmul.u32 $0xC, v2  }
0x3b: {  	v3 =	vadd.s32 v3, v4  }
0x3c: {  	v2 =	vadd.s32 v2, v3  }
0x3d: {  	[tilespmem:s25+$0xFFFFFFE0] =	vst v2  }
0x3e: {  	s31 =	simm.s32 $0x40;
	v2 =	vld.idx.msk [tilespmem:v6+s5+$0x0], $0xffff  }
0x3f: {  	v3 =	vor.u32 s31, v0  }
0x40: {  	v4 =	vmulhi.u32 $0xAAAAAAAB, v3;
	_ =	sdelay $0x1  }
0x41: {  	v6 =	vmul.u32 $0xFFFFFFF4, v6;
	v4 =	vshrl.u32 v4, $0x3  }
0x42: {  	v2 =	vmul.u32 $0xC, v2  }
0x43: {  	v5 =	vadd.s32 v5, v6  }
0x44: {  	v2 =	vadd.s32 v2, v5  }
0x45: {  	[tilespmem:s25+$0xFFFFFFF0] =	vst v2  }
0x46: {  	s4 =	simm.s32 $0x50;
	v2 =	vld.idx.msk [tilespmem:v4+s5+$0x0], $0xffff  }
0x47: {  	v5 =	vor.u32 s4, v0  }
0x48: {  	v6 =	vmulhi.u32 $0xAAAAAAAB, v5;
	_ =	sdelay $0x1  }
0x49: {  	v4 =	vmul.u32 $0xFFFFFFF4, v4;
	v6 =	vshrl.u32 v6, $0x3  }
0x4a: {  	v2 =	vmul.u32 $0xC, v2  }
0x4b: {  	v3 =	vadd.s32 v3, v4  }
0x4c: {  	v2 =	vadd.s32 v2, v3  }
0x4d: {  	[tilespmem:s25+$0x0] =	vst v2  }
0x4e: {  	s30 =	simm.s32 $0x60;
	v2 =	vld.idx.msk [tilespmem:v6+s5+$0x0], $0xffff  }
0x4f: {  	v3 =	vor.u32 s30, v0  }
0x50: {  	v4 =	vmulhi.u32 $0xAAAAAAAB, v3;
	_ =	sdelay $0x1  }
0x51: {  	v6 =	vmul.u32 $0xFFFFFFF4, v6;
	v4 =	vshrl.u32 v4, $0x3  }
0x52: {  	v7 =	vmul.u32 $0xC, v2  }
0x53: {  	v5 =	vadd.s32 v5, v6  }
0x54: {  	v5 =	vadd.s32 v7, v5  }
0x55: {  	[tilespmem:s25+$0x10] =	vst v5  }
0x56: {  	s31 =	simm.s32 $0x70;
	v5 =	vld.idx.msk [tilespmem:v4+s5+$0x0], $0xffff  }
0x57: {  	v2 =	vor.u32 s31, v0  }
0x58: {  	v7 =	vmulhi.u32 $0xAAAAAAAB, v2;
	_ =	sdelay $0x1  }
0x59: {  	s29 =	simm.s32 $0x80;
	s28 =	simm.s32 $0x170;
	s26 =	simm.s32 $0xF0;
	v6 =	vmul.u32 $0xFFFFFFF4, v4;
	v4 =	vshrl.u32 v7, $0x3  }
.LBB2_2:
0x5a: {  	p0 =	sne.s32 s28, $0x1DF0;
	v7 =	vor.u32 s29, v0;
	v5 =	vmul.u32 $0xC, v5  }
0x5b: {  	v8 =	vmulhi.u32 $0xAAAAAAAB, v7;
	v3 =	vadd.s32 v3, v6  }
0x5c: {  	v3 =	vadd.s32 v5, v3  }
0x5d: {  	v5 =	vshrl.u32 v8, $0x3;
	[tilespmem:s25+$0x20] =	vst v3  }
0x5e: {  	v3 =	vmul.u32 $0xFFFFFFF4, v5;
	v6 =	vld.idx.msk [tilespmem:v4+s5+$0x0], $0xffff  }
0x5f: {  	v9 =	vsub.s32 $0x0, v7;
	v8 =	vmov s29  }
0x60: {  	vm0 =	veq.s32 v8, v0;
	vm1 =	vne.s32 v3, v9  }
0x61: {  	vm0 =	vmand vm0, vm1  }
0x62: {  	v3 =	vsel vm0, $0xFFFFFFFF, v1  }
0x63: {  	v4 =	vmul.u32 $0xFFFFFFF4, v4;
	v3 =	vadd.s32 v3, v5  }
0x64: {  	v5 =	vmul.u32 $0xC, v6  }
0x65: {  	v2 =	vadd.s32 v2, v4  }
0x66: {  	v2 =	vadd.s32 v5, v2  }
0x67: {  	[tilespmem:s25+$0x30] =	vst v2  }
0x68: {  	v2 =	vld.idx.msk [tilespmem:v3+s5+$0x0], $0xffff  }
0x69: {  	s29 =	sadd.s32 $0xFFFFFFA0, s26  }
0x6a: {  	v4 =	vor.u32 s29, v0  }
0x6b: {  	v5 =	vmulhi.u32 $0xAAAAAAAB, v4;
	_ =	sdelay $0x1  }
0x6c: {  	v5 =	vshrl.u32 v5, $0x3;
	v3 =	vmul.u32 $0xFFFFFFF4, v3  }
0x6d: {  	v2 =	vmul.u32 $0xC, v2  }
0x6e: {  	v3 =	vadd.s32 v7, v3  }
0x6f: {  	s25 =	sadd.s32 $0x80, s25;
	v2 =	vadd.s32 v2, v3  }
0x70: {  	[tilespmem:s25+$0xFFFFFFC0] =	vst v2  }
0x71: {  	v2 =	vld.idx.msk [tilespmem:v5+s5+$0x0], $0xffff  }
0x72: {  	s29 =	sadd.s32 $0xFFFFFFB0, s26  }
0x73: {  	v3 =	vor.u32 s29, v0  }
0x74: {  	v6 =	vmulhi.u32 $0xAAAAAAAB, v3;
	_ =	sdelay $0x1  }
0x75: {  	v5 =	vmul.u32 $0xFFFFFFF4, v5;
	v6 =	vshrl.u32 v6, $0x3  }
0x76: {  	v2 =	vmul.u32 $0xC, v2  }
0x77: {  	v4 =	vadd.s32 v4, v5  }
0x78: {  	v2 =	vadd.s32 v2, v4  }
0x79: {  	[tilespmem:s25+$0xFFFFFFD0] =	vst v2  }
0x7a: {  	v2 =	vld.idx.msk [tilespmem:v6+s5+$0x0], $0xffff  }
0x7b: {  	s29 =	sadd.s32 $0xFFFFFFC0, s26  }
0x7c: {  	v4 =	vor.u32 s29, v0  }
0x7d: {  	v5 =	vmulhi.u32 $0xAAAAAAAB, v4;
	_ =	sdelay $0x1  }
0x7e: {  	v6 =	vmul.u32 $0xFFFFFFF4, v6;
	v5 =	vshrl.u32 v5, $0x3  }
0x7f: {  	v2 =	vmul.u32 $0xC, v2  }
0x80: {  	v3 =	vadd.s32 v3, v6  }
0x81: {  	v2 =	vadd.s32 v2, v3  }
0x82: {  	[tilespmem:s25+$0xFFFFFFE0] =	vst v2  }
0x83: {  	v2 =	vld.idx.msk [tilespmem:v5+s5+$0x0], $0xffff  }
0x84: {  	s29 =	sadd.s32 $0xFFFFFFD0, s26  }
0x85: {  	v3 =	vor.u32 s29, v0  }
0x86: {  	v6 =	vmulhi.u32 $0xAAAAAAAB, v3;
	_ =	sdelay $0x1  }
0x87: {  	v5 =	vmul.u32 $0xFFFFFFF4, v5;
	v6 =	vshrl.u32 v6, $0x3  }
0x88: {  	v2 =	vmul.u32 $0xC, v2  }
0x89: {  	v4 =	vadd.s32 v4, v5  }
0x8a: {  	v2 =	vadd.s32 v2, v4  }
0x8b: {  	[tilespmem:s25+$0xFFFFFFF0] =	vst v2  }
0x8c: {  	v2 =	vld.idx.msk [tilespmem:v6+s5+$0x0], $0xffff  }
0x8d: {  	s29 =	sadd.s32 $0xFFFFFFE0, s26  }
0x8e: {  	v4 =	vor.u32 s29, v0  }
0x8f: {  	v5 =	vmulhi.u32 $0xAAAAAAAB, v4;
	_ =	sdelay $0x1  }
0x90: {  	v6 =	vmul.u32 $0xFFFFFFF4, v6;
	v5 =	vshrl.u32 v5, $0x3  }
0x91: {  	v2 =	vmul.u32 $0xC, v2  }
0x92: {  	v3 =	vadd.s32 v3, v6  }
0x93: {  	v2 =	vadd.s32 v2, v3  }
0x94: {  	[tilespmem:s25+$0x0] =	vst v2  }
0x95: {  	v2 =	vld.idx.msk [tilespmem:v5+s5+$0x0], $0xffff  }
0x96: {  	s29 =	sadd.s32 $0xFFFFFFF0, s26  }
0x97: {  	v3 =	vor.u32 s29, v0  }
0x98: {  	v6 =	vmulhi.u32 $0xAAAAAAAB, v3;
	_ =	sdelay $0x1  }
0x99: {  	v5 =	vmul.u32 $0xFFFFFFF4, v5;
	v6 =	vshrl.u32 v6, $0x3  }
0x9a: {  	v2 =	vmul.u32 $0xC, v2  }
0x9b: {  	v4 =	vadd.s32 v4, v5  }
0x9c: {  	v2 =	vadd.s32 v2, v4  }
0x9d: {  	[tilespmem:s25+$0x10] =	vst v2  }
0x9e: {  	v5 =	vld.idx.msk [tilespmem:v6+s5+$0x0], $0xffff  }
.Ltmp0:
0x9f: {  	(pc) =	sbr.rel @p0 .LBB2_2-.Ltmp0, $3  }
0xa0: {  	v2 =	vor.u32 s26, v0;
	s26 =	smov.u32 s28  }
0xa1: {  	v4 =	vmulhi.u32 $0xAAAAAAAB, v2;
	_ =	sdelay $0x1  }
0xa2: {  	s28 =	sadd.s32 $0x80, s28;
	s29 =	sadd.s32 $0xFFFFFF90, s26;
	v6 =	vmul.u32 $0xFFFFFFF4, v6;
	v4 =	vshrl.u32 v4, $0x3  }
0xa3: {  	v7 =	vor.u32 s29, v0  }
0xa4: {  	v5 =	vmul.u32 $0xC, v5;
	v8 =	vmulhi.u32 $0xAAAAAAAB, v7  }
0xa5: {  	v3 =	vadd.s32 v3, v6  }
0xa6: {  	v3 =	vadd.s32 v5, v3;
	v48 =	vshrl.u32 v8, $0x3  }
0xa7: {  	[tilespmem:s25+$0x20] =	vst v3;
	v3 =	vmul.u32 $0xFFFFFFF4, v48  }
0xa8: {  	v50 =	vmov s29;
	v9 =	vsub.s32 $0x0, v7;
	v49 =	vld.idx.msk [tilespmem:v4+s5+$0x0], $0xffff  }
0xa9: {  	vm0 =	veq.s32 v50, v0;
	vm1 =	vne.s32 v3, v9  }
0xaa: {  	vm0 =	vmand vm0, vm1  }
0xab: {  	v3 =	vsel vm0, $0xFFFFFFFF, v1  }
0xac: {  	v51 =	vmul.u32 $0xFFFFFFF4, v4;
	v3 =	vadd.s32 v3, v48  }
0xad: {  	v52 =	vmul.u32 $0xC, v49  }
0xae: {  	v2 =	vadd.s32 v2, v51  }
0xaf: {  	v2 =	vadd.s32 v52, v2  }
0xb0: {  	[tilespmem:s25+$0x30] =	vst v2  }
0xb1: {  	s28 =	sadd.s32 $0xFFFFFFA0, s26;
	v2 =	vld.idx.msk [tilespmem:v3+s5+$0x0], $0xffff  }
0xb2: {  	v53 =	vor.u32 s28, v0  }
0xb3: {  	v54 =	vmulhi.u32 $0xAAAAAAAB, v53;
	_ =	sdelay $0x1  }
0xb4: {  	v5 =	vshrl.u32 v54, $0x3;
	v3 =	vmul.u32 $0xFFFFFFF4, v3  }
0xb5: {  	v2 =	vmul.u32 $0xC, v2  }
0xb6: {  	v3 =	vadd.s32 v7, v3  }
0xb7: {  	s25 =	sadd.s32 $0x80, s25;
	v2 =	vadd.s32 v2, v3  }
0xb8: {  	[tilespmem:s25+$0xFFFFFFC0] =	vst v2  }
0xb9: {  	s4 =	sadd.s32 $0xFFFFFFB0, s26;
	v2 =	vld.idx.msk [tilespmem:v5+s5+$0x0], $0xffff  }
0xba: {  	v3 =	vor.u32 s4, v0  }
0xbb: {  	v55 =	vmulhi.u32 $0xAAAAAAAB, v3;
	_ =	sdelay $0x1  }
0xbc: {  	v5 =	vmul.u32 $0xFFFFFFF4, v5;
	v6 =	vshrl.u32 v55, $0x3  }
0xbd: {  	v2 =	vmul.u32 $0xC, v2  }
0xbe: {  	v4 =	vadd.s32 v53, v5  }
0xbf: {  	v2 =	vadd.s32 v2, v4  }
0xc0: {  	[tilespmem:s25+$0xFFFFFFD0] =	vst v2  }
0xc1: {  	s29 =	sadd.s32 $0xFFFFFFC0, s26;
	v2 =	vld.idx.msk [tilespmem:v6+s5+$0x0], $0xffff  }
0xc2: {  	v56 =	vor.u32 s29, v0  }
0xc3: {  	v57 =	vmulhi.u32 $0xAAAAAAAB, v56;
	_ =	sdelay $0x1  }
0xc4: {  	v5 =	vshrl.u32 v57, $0x3;
	v6 =	vmul.u32 $0xFFFFFFF4, v6  }
0xc5: {  	v2 =	vmul.u32 $0xC, v2  }
0xc6: {  	v3 =	vadd.s32 v3, v6  }
0xc7: {  	v2 =	vadd.s32 v2, v3  }
0xc8: {  	[tilespmem:s25+$0xFFFFFFE0] =	vst v2  }
0xc9: {  	s30 =	sadd.s32 $0xFFFFFFD0, s26;
	v2 =	vld.idx.msk [tilespmem:v5+s5+$0x0], $0xffff  }
0xca: {  	v3 =	vor.u32 s30, v0  }
0xcb: {  	v58 =	vmulhi.u32 $0xAAAAAAAB, v3;
	_ =	sdelay $0x1  }
0xcc: {  	v5 =	vmul.u32 $0xFFFFFFF4, v5;
	v6 =	vshrl.u32 v58, $0x3  }
0xcd: {  	v2 =	vmul.u32 $0xC, v2  }
0xce: {  	v4 =	vadd.s32 v56, v5  }
0xcf: {  	v2 =	vadd.s32 v2, v4  }
0xd0: {  	[tilespmem:s25+$0xFFFFFFF0] =	vst v2  }
0xd1: {  	s31 =	sadd.s32 $0xFFFFFFE0, s26;
	v2 =	vld.idx.msk [tilespmem:v6+s5+$0x0], $0xffff  }
0xd2: {  	v59 =	vor.u32 s31, v0  }
0xd3: {  	v60 =	vmulhi.u32 $0xAAAAAAAB, v59;
	_ =	sdelay $0x1  }
0xd4: {  	v5 =	vshrl.u32 v60, $0x3;
	v6 =	vmul.u32 $0xFFFFFFF4, v6  }
0xd5: {  	v2 =	vmul.u32 $0xC, v2  }
0xd6: {  	v3 =	vadd.s32 v3, v6  }
0xd7: {  	v2 =	vadd.s32 v2, v3  }
0xd8: {  	[tilespmem:s25+$0x0] =	vst v2  }
0xd9: {  	s4 =	sadd.s32 $0xFFFFFFF0, s26;
	v2 =	vld.idx.msk [tilespmem:v5+s5+$0x0], $0xffff  }
0xda: {  	v3 =	vor.u32 s4, v0  }
0xdb: {  	v61 =	vmulhi.u32 $0xAAAAAAAB, v3;
	_ =	sdelay $0x1  }
0xdc: {  	v5 =	vmul.u32 $0xFFFFFFF4, v5;
	v6 =	vshrl.u32 v61, $0x3  }
0xdd: {  	v2 =	vmul.u32 $0xC, v2  }
0xde: {  	v4 =	vadd.s32 v59, v5  }
0xdf: {  	v2 =	vadd.s32 v2, v4  }
0xe0: {  	[tilespmem:s25+$0x10] =	vst v2  }
0xe1: {  	v2 =	vld.idx.msk [tilespmem:v6+s5+$0x0], $0xffff  }
0xe2: {  	v62 =	vor.u32 s26, v0  }
0xe3: {  	v63 =	vmulhi.u32 $0xAAAAAAAB, v62;
	_ =	sdelay $0x1  }
0xe4: {  	v5 =	vshrl.u32 v63, $0x3;
	v6 =	vmul.u32 $0xFFFFFFF4, v6  }
0xe5: {  	v2 =	vmul.u32 $0xC, v2  }
0xe6: {  	v3 =	vadd.s32 v3, v6  }
0xe7: {  	v2 =	vadd.s32 v2, v3  }
0xe8: {  	[tilespmem:s25+$0x20] =	vst v2  }
0xe9: {  	v2 =	vld.idx.msk [tilespmem:v5+s5+$0x0], $0xffff;
	_ =	sdelay $0x3  }
0xea: {  	v3 =	vmul.u32 $0xFFFFFFF4, v5  }
0xeb: {  	v2 =	vmul.u32 $0xC, v2  }
0xec: {  	v3 =	vadd.s32 v62, v3  }
0xed: {  	v2 =	vadd.s32 v2, v3  }
0xee: {  	[tilespmem:s25+$0x30] =	vst v2  }
0xef: {  	[tilespmem:s17], [sflag:$0x1] =	stream.indirect.gather [hbm4b:s0+s15], $0x1, s16, s15, $0xb8;
	[tilespmem:$0xF280] =	vst v63  }
0xf0: {  	_ = 	snop  }
0xf1: {  	[tilespmem:s18], [sflag:$0x2] =	stream.indirect.gather [hbm4b:s1+s15], $0x1, s16, s15, $0xb8;
	[tilespmem:$0xF280] =	vst v63  }
0xf2: {  	s29 =	simm.s32 $0x2300;
	s30 =	simm.s32 $0x300  }
0xf3: {  	[tilespmem:s29], [sflag:$0x1] =	stream.indirect.gather [hbm4b:s0+s15], $0x1, s30, s15, $0xb8;
	[tilespmem:$0xF280] =	vst v63  }
0xf4: {  	s31 =	simm.s32 $0x4300  }
0xf5: {  	[tilespmem:s31], [sflag:$0x2] =	stream.indirect.gather [hbm4b:s1+s15], $0x1, s30, s15, $0xb8;
	[tilespmem:$0xF280] =	vst v63  }
0xf6: {  	_ =	swait.ge [sflag:s19], $0x80  }
0xf7: {  	[sflag:s19] =	ssyncset.done $0x0  }
0xf8: {  	[sflag:s19] =	ssyncadd.s32 $0xFFFFFF80  }
0xf9: {  	_ =	swait.ge [sflag:s20], $0x80  }
0xfa: {  	s26 =	simm.s32 $0x100;
	s25 =	simm.s32 $0x600;
	[sflag:s20] =	ssyncset.done $0x0  }
.LBB2_4:
0xfb: {  	s28 =	sadd.s32 $0x2280, s26  }
0xfc: {  	s29 =	sadd.s32 $0x280, s26;
	[sflag:s20] =	ssyncadd.s32 $0xFFFFFF80;
	s30 =	smov.u32 s25  }
0xfd: {  	[tilespmem:s28], [sflag:$0x1] =	stream.indirect.gather [hbm4b:s0+s15], $0x1, s29, s15, $0xb8;
	[tilespmem:$0xF280] =	vst v63  }
0xfe: {  	p0 =	sne.s32 s25, $0x7600;
	s25 =	sadd.s32 $0x200, s25;
	s26 =	sadd.s32 $0x4280, s26  }
0xff: {  	[tilespmem:s26], [sflag:$0x2] =	stream.indirect.gather [hbm4b:s1+s15], $0x1, s29, s15, $0xb8;
	[tilespmem:$0xF280] =	vst v63  }
.Ltmp1:
0x100: {  	_ =	swait.ge [sflag:s19], $0x80;
	(pc) =	sbr.rel @p0 .LBB2_4-.Ltmp1, $4  }
0x101: {  	[sflag:s19] =	ssyncset.done $0x0  }
0x102: {  	[sflag:s19] =	ssyncadd.s32 $0xFFFFFF80  }
0x103: {  	_ =	swait.ge [sflag:s20], $0x80  }
0x104: {  	s26 =	sshra.s32 s30, $0x2;
	[sflag:s20] =	ssyncset.done $0x0  }
0x105: {  	s25 =	sadd.s32 $0x2280, s26;
	s28 =	sadd.s32 $0x280, s26;
	[sflag:s20] =	ssyncadd.s32 $0xFFFFFF80  }
0x106: {  	[tilespmem:s25], [sflag:$0x1] =	stream.indirect.gather [hbm4b:s0+s15], $0x1, s28, s15, $0xb8;
	[tilespmem:$0xF280] =	vst v63  }
0x107: {  	s31 =	sadd.s32 $0x4280, s26  }
0x108: {  	[tilespmem:s31], [sflag:$0x2] =	stream.indirect.gather [hbm4b:s1+s15], $0x1, s28, s15, $0xb8;
	[tilespmem:$0xF280] =	vst v63  }
0x109: {  	_ =	swait.ge [sflag:s19], $0x80  }
0x10a: {  	[sflag:s19] =	ssyncset.done $0x0  }
0x10b: {  	[sflag:s19] =	ssyncadd.s32 $0xFFFFFF80  }
0x10c: {  	_ =	swait.ge [sflag:s20], $0x80  }
0x10d: {  	[sflag:s20] =	ssyncset.done $0x0  }
0x10e: {  	[sflag:s20] =	ssyncadd.s32 $0xFFFFFF80  }
0x10f: {  	_ =	swait.ge [sflag:s19], $0x80  }
0x110: {  	[sflag:s19] =	ssyncset.done $0x0  }
0x111: {  	[sflag:s19] =	ssyncadd.s32 $0xFFFFFF80  }
0x112: {  	_ =	swait.ge [sflag:s20], $0x80  }
0x113: {  	[sflag:s20] =	ssyncset.done $0x0  }
0x114: {  	s4 =	simm.s32 $0x0;
	[sflag:s20] =	ssyncadd.s32 $0xFFFFFF80  }
0x115: {  	[hbm4b:s7+s4] =	stream.linear.scatter [tilespmem:s18], [sflag:$0x3], $0x1E00, $0x38;
	[tilespmem:$0xF280] =	vst v63  }
0x116: {  	_ =	swait.ge [sflag:s14], $0x1E00  }
0x117: {  	s26 =	simm.s32 $0x0;
	[sflag:s14] =	ssyncset.done $0x0  }
0x118: {  	s25 =	sand.u32 $0x4000, s26;
	[sflag:s14] =	ssyncadd.s32 $0xFFFFE200  }
0x119: {  	[tilespmem:s21], [sflag:$0x1] =	stream.indirect.gather [hbm4b:s2+s15], $0x80, s17, s15, $0xb8;
	[tilespmem:$0xF280] =	vst v63  }
0x11a: {  	s30 =	simm.s32 $0x2300;
	s28 =	ssub.s32 $0xB280, s25  }
0x11b: {  	[tilespmem:s28], [sflag:$0x1] =	stream.indirect.gather [hbm4b:s2+s15], $0x80, s30, s15, $0xb8;
	[tilespmem:$0xF280] =	vst v63  }
0x11c: {  	_ =	swait.ge [sflag:s19], $0x4000  }
0x11d: {  	[sflag:s19] =	ssyncset.done $0x0  }
0x11e: {  	s29 =	simm.s32 $0x2;
	s25 =	sadd.s32 $0x7280, s25;
	[sflag:s19] =	ssyncadd.s32 $0xFFFFC000  }
0x11f: {  	[hbm4b:s11+s5] =	stream.linear.scatter [tilespmem:s25], [sflag:$0x3], $0x4000, $0x38;
	[tilespmem:$0xF280] =	vst v63  }
0x120: {  	s26 =	simm.s32 $0x2380;
	s31 =	simm.s32 $0x4000;
	_ =	swait.ge [sflag:s14], $0x4000  }
0x121: {  	s28 =	sand.u32 $0x4000, s31;
	s25 =	sadd.s32 $0x800, s11;
	[sflag:s14] =	ssyncset.done $0x0  }
.LBB2_6:
0x122: {  	s30 =	ssub.s32 $0xB280, s28  }
0x123: {  	[sflag:s14] =	ssyncadd.s32 $0xFFFFC000;
	s31 =	smov.u32 s29;
	s4 =	sadd.s32 $0x1, s29  }
0x124: {  	[tilespmem:s30], [sflag:$0x1] =	stream.indirect.gather [hbm4b:s2+s15], $0x80, s26, s15, $0xb8;
	[tilespmem:$0xF280] =	vst v63  }
0x125: {  	p0 =	sne.s32 s29, $0x3A;
	_ =	swait.ge [sflag:s19], $0x4000  }
.Ltmp2:
0x126: {  	[sflag:s19] =	ssyncset.done $0x0;
	(pc) =	sbr.rel @p0 .LBB2_6-.Ltmp2, $4  }
0x127: {  	s28 =	sadd.s32 $0x7280, s28;
	s26 =	sadd.s32 $0x80, s26;
	[sflag:s19] =	ssyncadd.s32 $0xFFFFC000  }
0x128: {  	[hbm4b:s25+s5] =	stream.linear.scatter [tilespmem:s28], [sflag:$0x3], $0x4000, $0x38;
	[tilespmem:$0xF280] =	vst v63  }
0x129: {  	s29 =	smov.u32 s4;
	s28 =	sshll.u32 s31, $0xE;
	_ =	swait.ge [sflag:s14], $0x4000  }
0x12a: {  	s25 =	sadd.s32 $0x800, s25;
	s28 =	sand.u32 $0x4000, s28;
	[sflag:s14] =	ssyncset.done $0x0  }
0x12b: {  	s4 =	ssub.s32 $0xB280, s28;
	[sflag:s14] =	ssyncadd.s32 $0xFFFFC000  }
0x12c: {  	[tilespmem:s4], [sflag:$0x1] =	stream.indirect.gather [hbm4b:s2+s15], $0x80, s26, s15, $0xb8;
	[tilespmem:$0xF280] =	vst v63  }
0x12d: {  	_ =	swait.ge [sflag:s19], $0x4000  }
0x12e: {  	[sflag:s19] =	ssyncset.done $0x0  }
0x12f: {  	s29 =	sadd.s32 $0x7280, s28;
	[sflag:s19] =	ssyncadd.s32 $0xFFFFC000  }
0x130: {  	[hbm4b:s25+s5] =	stream.linear.scatter [tilespmem:s29], [sflag:$0x3], $0x4000, $0x38;
	[tilespmem:$0xF280] =	vst v63  }
0x131: {  	_ =	swait.ge [sflag:s14], $0x4000  }
0x132: {  	[sflag:s14] =	ssyncset.done $0x0  }
0x133: {  	[sflag:s14] =	ssyncadd.s32 $0xFFFFC000  }
0x134: {  	_ =	swait.ge [sflag:s19], $0x4000  }
0x135: {  	[sflag:s19] =	ssyncset.done $0x0  }
0x136: {  	s30 =	simm.s32 $0x0;
	[sflag:s19] =	ssyncadd.s32 $0xFFFFC000  }
0x137: {  	[hbm4b:s9+s30] =	stream.linear.scatter [tilespmem:s22], [sflag:$0x3], $0x4000, $0x38;
	[tilespmem:$0xF280] =	vst v63  }
0x138: {  	_ =	swait.ge [sflag:s14], $0x4000  }
0x139: {  	[sflag:s14] =	ssyncset.done $0x0  }
0x13a: {  	s31 =	sadd.s32 $0x0, s12;
	s25 =	simm.s32 $0x6280;
	[sflag:s14] =	ssyncadd.s32 $0xFFFFC000  }
0x13b: {  	[tilespmem:s25], [sflag:$0x3] =	stream.linear.gather [hbm4b:s31+s5], $0x80, $0x38;
	[tilespmem:$0xF280] =	vst v63  }
0x13c: {  	_ =	swait.ge [sflag:s14], $0x80  }
0x13d: {  	s26 =	simm.s32 $0x10;
	[sflag:s14] =	ssyncset.done $0x0  }
.LBB2_8:
0x13e: {  	s4 =	sadd.s32 s26, s12  }
0x13f: {  	[sflag:s14] =	ssyncadd.s32 $0xFFFFFF80;
	s25 =	sadd.s32 $0x80, s25;
	p0 =	sne.s32 s26, $0x180  }
0x140: {  	[tilespmem:s25], [sflag:$0x3] =	stream.linear.gather [hbm4b:s4+s5], $0x80, $0x38;
	[tilespmem:$0xF280] =	vst v63  }
.Ltmp3:
0x141: {  	_ = 	snop;
	(pc) =	sbr.rel @p0 .LBB2_8-.Ltmp3, $4  }
0x142: {  	_ = 	snop  }
0x143: {  	s26 =	sadd.s32 $0x10, s26  }
0x144: {  	_ =	swait.ge [sflag:s14], $0x80  }
0x145: {  	[sflag:s14] =	ssyncset.done $0x0  }
0x146: {  	[sflag:s14] =	ssyncadd.s32 $0xFFFFFF80;
	s4 =	simm.s32 $0x0  }
0x147: {  	[tilespmem:s21], [sflag:$0x1] =	stream.indirect.gather [hbm4b:s2+s15], $0x80, s23, s15, $0xb8;
	[tilespmem:$0xF280] =	vst v63  }
0x148: {  	s4 =	sand.u32 $0x4000, s4  }
0x149: {  	s25 =	simm.s32 $0x6300;
	s26 =	ssub.s32 $0xB280, s4  }
0x14a: {  	[tilespmem:s26], [sflag:$0x1] =	stream.indirect.gather [hbm4b:s2+s15], $0x80, s25, s15, $0xb8;
	[tilespmem:$0xF280] =	vst v63  }
0x14b: {  	_ =	swait.ge [sflag:s19], $0x4000  }
0x14c: {  	[sflag:s19] =	ssyncset.done $0x0  }
0x14d: {  	s31 =	simm.s32 $0x4000;
	s4 =	sadd.s32 $0x7280, s4;
	[sflag:s19] =	ssyncadd.s32 $0xFFFFC000  }
0x14e: {  	[hbm4b:s13+s5] =	stream.linear.scatter [tilespmem:s4], [sflag:$0x3], $0x4000, $0x38;
	[tilespmem:$0xF280] =	vst v63  }
0x14f: {  	s29 =	simm.s32 $0x2;
	s28 =	sand.u32 $0x4000, s31;
	_ =	swait.ge [sflag:s14], $0x4000  }
0x150: {  	s26 =	simm.s32 $0x6380;
	s25 =	sadd.s32 $0x800, s13;
	[sflag:s14] =	ssyncset.done $0x0  }
.LBB2_10:
0x151: {  	s4 =	ssub.s32 $0xB280, s28  }
0x152: {  	[sflag:s14] =	ssyncadd.s32 $0xFFFFC000;
	s30 =	smov.u32 s29;
	s31 =	sadd.s32 $0x1, s29  }
0x153: {  	[tilespmem:s4], [sflag:$0x1] =	stream.indirect.gather [hbm4b:s2+s15], $0x80, s26, s15, $0xb8;
	[tilespmem:$0xF280] =	vst v63  }
0x154: {  	p0 =	sne.s32 s29, $0x17;
	_ =	swait.ge [sflag:s19], $0x4000  }
.Ltmp4:
0x155: {  	[sflag:s19] =	ssyncset.done $0x0;
	(pc) =	sbr.rel @p0 .LBB2_10-.Ltmp4, $4  }
0x156: {  	s4 =	sadd.s32 $0x7280, s28;
	s26 =	sadd.s32 $0x80, s26;
	[sflag:s19] =	ssyncadd.s32 $0xFFFFC000  }
0x157: {  	[hbm4b:s25+s5] =	stream.linear.scatter [tilespmem:s4], [sflag:$0x3], $0x4000, $0x38;
	[tilespmem:$0xF280] =	vst v63  }
0x158: {  	s29 =	smov.u32 s31;
	s4 =	sshll.u32 s30, $0xE;
	_ =	swait.ge [sflag:s14], $0x4000  }
0x159: {  	s25 =	sadd.s32 $0x800, s25;
	s28 =	sand.u32 $0x4000, s4;
	[sflag:s14] =	ssyncset.done $0x0  }
0x15a: {  	s4 =	ssub.s32 $0xB280, s28;
	[sflag:s14] =	ssyncadd.s32 $0xFFFFC000  }
0x15b: {  	[tilespmem:s4], [sflag:$0x1] =	stream.indirect.gather [hbm4b:s2+s15], $0x80, s26, s15, $0xb8;
	[tilespmem:$0xF280] =	vst v63  }
0x15c: {  	_ =	swait.ge [sflag:s19], $0x4000  }
0x15d: {  	[sflag:s19] =	ssyncset.done $0x0  }
0x15e: {  	s31 =	sadd.s32 $0x7280, s28;
	[sflag:s19] =	ssyncadd.s32 $0xFFFFC000  }
0x15f: {  	[hbm4b:s25+s5] =	stream.linear.scatter [tilespmem:s31], [sflag:$0x3], $0x4000, $0x38;
	[tilespmem:$0xF280] =	vst v63  }
0x160: {  	_ =	swait.ge [sflag:s14], $0x4000  }
0x161: {  	[sflag:s14] =	ssyncset.done $0x0  }
0x162: {  	[sflag:s14] =	ssyncadd.s32 $0xFFFFC000  }
0x163: {  	s24 =	sadd.s32 $0x1, s24;
	_ =	swait.ge [sflag:s19], $0x4000  }
0x164: {  	p0 =	sne.s32 s24, s8;
	[sflag:s19] =	ssyncset.done $0x0  }
.Ltmp5:
0x165: {  	[sflag:s19] =	ssyncadd.s32 $0xFFFFC000;
	(pc) =	sbr.rel @p0 .LBB2_1-.Ltmp5, $4  }
0x166: {  	[hbm4b:s10+s5] =	stream.linear.scatter [tilespmem:s21], [sflag:$0x3], $0x4000, $0x38;
	[tilespmem:$0xF280] =	vst v63  }
0x167: {  	_ =	swait.ge [sflag:s14], $0x4000  }
0x168: {  	[sflag:s14] =	ssyncset.done $0x0  }
0x169: {  	[sflag:s14] =	ssyncadd.s32 $0xFFFFC000  }
0x16a: {  	_ =	sfence.sel $0x180000  }
0x16b: {  	[bflag:$0x0] =	sbarrier.arrive $0xFFFF  }
0x16c: {  	_ =	strace $0x90000047  }
0x16d: {  	[bflag:$0x2] =	sbarrier.arrive $0xFFFF  }
0x16e: {  	p0 =	sne.s32 s3, $0x0;
	s0 =	rddreg [dreg:$0x8]  }
0x16f: {  	s0 =	sadd.s32 @!p0 $0x100000, s0  }
0x170: {  	[sflag:s0] =	ssyncadd.tile.s32 @!p0 $0x1;
	_ =	shalt  }
.Lfunc_end2:
_tile_overlayer_lowered:
.L_overlay_start_2:
0x171: {  	(tag) =	ssettag $0x2  }
0x172: {  	s0 =	rddreg [dreg:$0x0];
	s2 =	stileid.u32  }
0x173: {  	s1 =	rddreg [dreg:$0x1];
	p0 =	sne.s32 s2, $0x0  }
0x174: {  	s3 =	rddreg [dreg:$0x2];
	[bflag:$0x3] =	sbarrier.arrive $0xFFFF;
	s2 =	simm.s32 @!p0 $0x1C03  }
0x175: {  	[timem:s3], [sflag:s2] =	dma.local @!p0 [hbm:s0], s1  }
0x176: {  	s0 =	simm.s32 @!p0 $0x3  }
0x177: {  	_ =	swait.ge @!p0 [sflag:s0], s1  }
0x178: {  	s1 =	ssub.s32 @!p0 $0x0, s1;
	[sflag:s0] =	ssyncset.done @!p0 $0x0  }
0x179: {  	[sflag:s0] =	ssyncadd.s32 @!p0 s1  }
0x17a: {  	[bflag:$0x3] =	sbarrier.arrive $0xFFFF  }
0x17b: {  	_ =	shalt  }

</sc_bundles>
